<compile_context>
chip_gen: v7x
topology: tpu7x:2x2x1
jax: 0.10.2.dev20260603
libtpu: 0.0.44.dev20260713+nightly
codegen_flags: <defaults>
</compile_context>

<pallas_src>
import functools

import jax
import jax.numpy as jnp
from jax import lax
from jax.experimental import pallas as pl
from jax.experimental.pallas import tpu as pltpu
from jax.experimental.pallas import tpu_sc as plsc

H = 128
NN = 100000

NW = 32
CH = 128
NCH0 = 47
NCH1 = 3
MAXC = max(NCH0, NCH1)
TOT = 16 * (NCH0 + NCH1) * CH
IDXPAD = TOT + MAXC * CH

NB = 4


def _sc_gather_body(hc_hbm, i0_hbm, i1_hbm, o0, o1,
                    i0_v, i1_v, b0, b1, b2, b3, s0, s1, s2, s3):
    bufs = (b0, b1, b2, b3)
    sems = (s0, s1, s2, s3)
    cc = lax.axis_index("c")
    ss = lax.axis_index("s")
    nch = jnp.where(cc == 0, NCH0, NCH1)
    base = (jnp.where(cc == 0, ss * NCH0, 16 * NCH0 + ss * NCH1) * CH)
    ngrp = (nch + NB - 1) // NB
    pltpu.sync_copy(i0_hbm.at[pl.ds(base, MAXC * CH)], i0_v)
    pltpu.sync_copy(i1_hbm.at[pl.ds(base, MAXC * CH)], i1_v)
    for idx_v, out in ((i0_v, o0), (i1_v, o1)):
        def gstart(j, b, idx_v=idx_v):
            pltpu.async_copy(
                hc_hbm.at[idx_v.at[pl.ds(j * CH, CH)]], bufs[b], sems[b])

        for b in range(NB):
            @pl.when(b < nch)
            def _(b=b, gstart=gstart):
                gstart(b, b)

        def body(i, _, idx_v=idx_v, out=out, gstart=gstart):
            for b in range(NB):
                j = i * NB + b

                @pl.when(j < nch)
                def _(j=j, b=b):
                    pltpu.make_async_copy(
                        hc_hbm.at[idx_v.at[pl.ds(j * CH, CH)]], bufs[b],
                        sems[b]).wait()
                    pltpu.sync_copy(bufs[b],
                                    out.at[pl.ds(base + j * CH, CH)])

                @pl.when(j + NB < nch)
                def _(j=j, b=b):
                    gstart(j + NB, b)
            return 0
        lax.fori_loop(0, ngrp, body, 0)


@functools.cache
def _sc_gather_kernel():
    mesh = plsc.VectorSubcoreMesh(core_axis_name="c", subcore_axis_name="s")
    return pl.kernel(
        _sc_gather_body,
        mesh=mesh,
        out_type=[jax.ShapeDtypeStruct((TOT, H), jnp.float32)] * 2,
        scratch_types=(
            [pltpu.VMEM((MAXC * CH,), jnp.int32)] * 2
            + [pltpu.VMEM((CH, H), jnp.float32)] * NB
            + [pltpu.SemaphoreType.DMA] * NB
        ),
    )


BN = 2000
GRID = NN // BN


def _unpack(ref):
    w = lax.bitcast_convert_type(ref[...], jnp.uint32)
    hv = lax.bitcast_convert_type(w & jnp.uint32(0xFFFF0000), jnp.float32)
    cv = lax.bitcast_convert_type(w << 16, jnp.float32)
    return hv, cv


def _tc_body(g0_ref, g1_ref, iou_ref, w_ref, ufb_ref,
             biou_ref, siou_ref, sc_ref, ho_ref, co_ref):
    h0, c0 = _unpack(g0_ref)
    h1, c1 = _unpack(g1_ref)
    w = w_ref[...]
    h0b = h0.astype(jnp.bfloat16)
    h1b = h1.astype(jnp.bfloat16)
    y = (jnp.dot(h0b, w[:H, :], preferred_element_type=jnp.float32)
         + jnp.dot(h1b, w[H:, :], preferred_element_type=jnp.float32))
    ufb = ufb_ref[...]
    f0 = jax.nn.sigmoid(y[:, :H] + ufb[:, :H])
    f1 = jax.nn.sigmoid(y[:, H:2 * H] + ufb[:, H:])
    c_red = f0 * c0 + f1 * c1
    hnorm = jnp.sqrt(jnp.sum(h0 * h0 + h1 * h1, axis=1, keepdims=True))
    iou = iou_ref[...]
    iounorm = jnp.sqrt(jnp.sum(iou * iou, axis=1, keepdims=True))
    s = iounorm * siou_ref[0, 0] / jnp.maximum(hnorm, 1e-12)
    iou_b = y[:, 2 * H:] * s + biou_ref[...]
    c0norm = jnp.sqrt(jnp.sum(c0 * c0, axis=1, keepdims=True))
    crnorm = jnp.maximum(
        jnp.sqrt(jnp.sum(c_red * c_red, axis=1, keepdims=True)), 1e-12)
    c_data = c_red * (c0norm * sc_ref[0, 0] / crnorm)
    gi = jax.nn.sigmoid(iou_b[:, :H])
    go = jax.nn.sigmoid(iou_b[:, H:2 * H])
    gu = jnp.tanh(iou_b[:, 2 * H:])
    c_out = gi * gu + c_data
    co_ref[...] = c_out
    ho_ref[...] = go * jnp.tanh(c_out)


def _tc_call(g0, g1, iou, wcat, ufb, biou, siou, sc):
    row = lambda i: (i, 0)
    zero = lambda i: (0, 0)
    return pl.pallas_call(
        _tc_body,
        grid=(GRID,),
        in_specs=[
            pl.BlockSpec((BN, H), row),
            pl.BlockSpec((BN, H), row),
            pl.BlockSpec((BN, 3 * H), row),
            pl.BlockSpec((2 * H, 5 * H), zero),
            pl.BlockSpec((1, 2 * H), zero),
            pl.BlockSpec((1, 3 * H), zero),
            pl.BlockSpec((1, 1), zero, memory_space=pltpu.SMEM),
            pl.BlockSpec((1, 1), zero, memory_space=pltpu.SMEM),
        ],
        out_specs=[pl.BlockSpec((BN, H), row), pl.BlockSpec((BN, H), row)],
        out_shape=[jax.ShapeDtypeStruct((NN, H), jnp.float32)] * 2,
    )(g0, g1, iou, wcat, ufb, biou, siou, sc)


def kernel(h, c, iou, children, U_iou_w, b_iou, U_f_w, U_f_b, scale_iou,
           scale_c):
    hbits = lax.bitcast_convert_type(h, jnp.uint32)
    cbits = lax.bitcast_convert_type(c, jnp.uint32)
    hr = (hbits + jnp.uint32(0x8000)) & jnp.uint32(0xFFFF0000)
    cr = (cbits + jnp.uint32(0x8000)) >> 16
    hc = lax.bitcast_convert_type(hr | cr, jnp.float32)
    ch = children.astype(jnp.int32)
    pad = jnp.zeros((IDXPAD - NN,), jnp.int32)
    i0 = jnp.concatenate([ch[:, 0], pad])
    i1 = jnp.concatenate([ch[:, 1], pad])
    g0, g1 = _sc_gather_kernel()(hc, i0, i1)
    wcat = jnp.concatenate([U_f_w.T, U_iou_w.T],
                           axis=1).astype(jnp.bfloat16)
    ufb = U_f_b.reshape(1, 2 * H)
    biou = b_iou.reshape(1, 3 * H)
    siou = scale_iou.reshape(1, 1)
    sc = scale_c.reshape(1, 1)
    h_out, c_out = _tc_call(g0, g1, iou, wcat, ufb, biou, siou, sc)
    return h_out, c_out

# --- scband reference (transcript-rebuilt; emitter-appended) ---
"""Pipeline reference for scband-tree-lstmcell-31980326486846 (READ-ONLY COPY).

The authoritative reference and input builder live on the scoring server;
editing this copy changes nothing except your own understanding.
"""

import jax, jax.numpy as jnp
import numpy as np

H = 128
N = 100000


def msg_norm(feats, msg, scale):
    # DGL MessageNorm (learn_scale=True): L2-normalize msg, rescale by ||feats||
    msg_n = msg / jnp.maximum(jnp.linalg.norm(msg, axis=-1, keepdims=True), 1e-12)
    feats_norm = jnp.linalg.norm(feats, axis=-1, keepdims=True)
    return msg_n * feats_norm * scale


def setup_inputs(seed: int = 0) -> dict:
    key = jax.random.key(seed)
    ks = jax.random.split(key, 8)
    h = jax.random.normal(ks[0], (N, H), dtype=jnp.float32)
    c = jax.random.normal(ks[1], (N, H), dtype=jnp.float32)
    iou = jax.random.normal(ks[2], (N, 3 * H), dtype=jnp.float32)
    children = jax.random.randint(ks[3], (N, 2), 0, N)
    # learned parameters per init_kwargs (h_size=128)
    U_iou_w = jax.random.normal(ks[4], (3 * H, 2 * H), dtype=jnp.float32) / np.sqrt(2 * H)
    b_iou = jnp.zeros((1, 3 * H), dtype=jnp.float32)
    U_f_w = jax.random.normal(ks[5], (2 * H, 2 * H), dtype=jnp.float32) / np.sqrt(2 * H)
    U_f_b = jnp.zeros((2 * H,), dtype=jnp.float32)
    scale_iou = jnp.ones((1,), dtype=jnp.float32)
    scale_c = jnp.ones((1,), dtype=jnp.float32)
    return {
        "h": h, "c": c, "iou": iou, "children": children,
        "U_iou_w": U_iou_w, "b_iou": b_iou, "U_f_w": U_f_w, "U_f_b": U_f_b,
        "scale_iou": scale_iou, "scale_c": scale_c,
    }


def reference(h, c, iou, children, U_iou_w, b_iou, U_f_w, U_f_b, scale_iou, scale_c):
    # message_func: gather children h/c -> mailbox [N, 2, H]
    mb_h = jnp.take(h, children, axis=0)
    mb_c = jnp.take(c, children, axis=0)
    Np = mb_h.shape[0]
    # reduce_func
    h_cat = mb_h.reshape(Np, 2 * H)
    f = jax.nn.sigmoid(h_cat @ U_f_w.T + U_f_b).reshape(Np, 2, H)
    c_red = jnp.sum(f * mb_c, axis=1)
    iou_new = msg_norm(iou, h_cat, scale_iou) @ U_iou_w.T
    c_data = msg_norm(mb_c[:, 0, :], c_red, scale_c)
    # apply_node_func
    iou_b = iou_new + b_iou
    i, o, u = jnp.split(iou_b, 3, axis=1)
    i = jax.nn.sigmoid(i)
    o = jax.nn.sigmoid(o)
    u = jnp.tanh(u)
    c_out = i * u + c_data
    h_out = o * jnp.tanh(c_out)
    return h_out, c_out

if __name__ == "__main__":
    import jax
    _d = setup_inputs()
    print(jax.jit(kernel)(*tuple(_d.values())))

</pallas_src>

<mosaic_0001>
#map = affine_map<(d0, d1) -> (0, 0)>
#map1 = affine_map<(d0, d1) -> (0)>
module attributes {stable_mosaic.version = 14 : i64} {
  func.func @_sc_gather_body(%arg0: i32, %arg1: i32, %arg2: memref<100000x128xf32, #tpu.memory_space<hbm>>, %arg3: memref<108416xi32, #tpu.memory_space<hbm>>, %arg4: memref<108416xi32, #tpu.memory_space<hbm>>, %arg5: memref<102400x128xf32, #tpu.memory_space<hbm>>, %arg6: memref<102400x128xf32, #tpu.memory_space<hbm>>, %arg7: memref<6016xi32, #tpu.memory_space<vmem>>, %arg8: memref<6016xi32, #tpu.memory_space<vmem>>, %arg9: memref<128x128xf32, #tpu.memory_space<vmem>>, %arg10: memref<128x128xf32, #tpu.memory_space<vmem>>, %arg11: memref<128x128xf32, #tpu.memory_space<vmem>>, %arg12: memref<128x128xf32, #tpu.memory_space<vmem>>, %arg13: memref<!tpu.dma_semaphore, #tpu.memory_space<semaphore_mem>>, %arg14: memref<!tpu.dma_semaphore, #tpu.memory_space<semaphore_mem>>, %arg15: memref<!tpu.dma_semaphore, #tpu.memory_space<semaphore_mem>>, %arg16: memref<!tpu.dma_semaphore, #tpu.memory_space<semaphore_mem>>) attributes {dimension_semantics = [#tpu.dimension_semantics<core_parallel>, #tpu.dimension_semantics<subcore_parallel>], iteration_bounds = array<i64: 2, 16>, scalar_prefetch = 0 : i64, scratch_operands = 10 : i64, tpu.core_type = #tpu.core_type<sc_vector_subcore>, window_params = [{transform_indices = #map}, {transform_indices = #map1}, {transform_indices = #map1}, {transform_indices = #map}, {transform_indices = #map}]} {
    %eq3A = arith.constant 0 : i32
    %eq3A_0 = arith.cmpi eq, %arg0, %eq3A : i32
    %jit3A = arith.constant 47 : i32
    %jit3A_1 = arith.constant 3 : i32
    %select_n3A = arith.select %eq3A_0, %jit3A, %jit3A_1 : i32
    %eq3A_2 = arith.constant 0 : i32
    %eq3A_3 = arith.cmpi eq, %arg0, %eq3A_2 : i32
    %mul3A = arith.constant 47 : i32
    %mul3A_4 = arith.muli %arg1, %mul3A : i32
    %mul3A_5 = arith.constant 3 : i32
    %mul3A_6 = arith.muli %arg1, %mul3A_5 : i32
    %add3A = arith.constant 752 : i32
    %add3A_7 = arith.addi %add3A, %mul3A_6 : i32
    %select_n3A_8 = arith.select %eq3A_3, %mul3A_4, %add3A_7 : i32
    %mul3A_9 = arith.constant 128 : i32
    %mul3A_10 = arith.muli %select_n3A_8, %mul3A_9 : i32
    %add3A_11 = arith.constant 4 : i32
    %add3A_12 = arith.addi %select_n3A, %add3A_11 : i32
    %sub3A = arith.constant 1 : i32
    %sub3A_13 = arith.subi %add3A_12, %sub3A : i32
    %jit3A_14 = arith.constant 4 : i32
    %div3A = arith.divsi %sub3A_13, %jit3A_14 : i32
    %sign3A = arith.constant 0 : i32
    %sign3A_15 = arith.cmpi sgt, %sub3A_13, %sign3A : i32
    %sign3A_16 = arith.extui %sign3A_15 : i1 to i32
    %sign3A_17 = arith.constant 0 : i32
    %sign3A_18 = arith.cmpi slt, %sub3A_13, %sign3A_17 : i32
    %sign3A_19 = arith.extui %sign3A_18 : i1 to i32
    %sign3A_20 = arith.subi %sign3A_16, %sign3A_19 : i32
    %sign3A_21 = arith.constant 0 : i32
    %sign3A_22 = arith.cmpi sgt, %jit3A_14, %sign3A_21 : i32
    %sign3A_23 = arith.extui %sign3A_22 : i1 to i32
    %sign3A_24 = arith.constant 0 : i32
    %sign3A_25 = arith.cmpi slt, %jit3A_14, %sign3A_24 : i32
    %sign3A_26 = arith.extui %sign3A_25 : i1 to i32
    %sign3A_27 = arith.subi %sign3A_23, %sign3A_26 : i32
    %ne3A = arith.cmpi ne, %sign3A_20, %sign3A_27 : i32
    %rem3A = arith.remsi %sub3A_13, %jit3A_14 : i32
    %ne3A_28 = arith.constant 0 : i32
    %ne3A_29 = arith.cmpi ne, %rem3A, %ne3A_28 : i32
    %and3A = arith.andi %ne3A, %ne3A_29 : i1
    %sub3A_30 = arith.constant 1 : i32
    %sub3A_31 = arith.subi %div3A, %sub3A_30 : i32
    %select_n3A_32 = arith.select %and3A, %sub3A_31, %div3A : i32
    "tpu.region"() ({
      %run_scoped3A = tpu.sem_alloc : memref<!tpu.dma_semaphore, #tpu.memory_space<semaphore_mem>>
      %dma_start3A = tpu.memref_slice %arg3[%mul3A_10] : memref<108416xi32, #tpu.memory_space<hbm>> -> memref<6016xi32, #tpu.memory_space<hbm>>
      %dma_start3A_93 = tpu.memref_slice %arg3[%mul3A_10] : memref<108416xi32, #tpu.memory_space<hbm>> -> memref<6016xi32, #tpu.memory_space<hbm>>
      tpu.enqueue_dma source(%dma_start3A_93 : memref<6016xi32, #tpu.memory_space<hbm>>) target(%arg7 : memref<6016xi32, #tpu.memory_space<vmem>>) target_semaphore(%run_scoped3A : memref<!tpu.dma_semaphore, #tpu.memory_space<semaphore_mem>>)
      %dma_wait3A = tpu.memref_slice %arg3[%mul3A_10] : memref<108416xi32, #tpu.memory_space<hbm>> -> memref<6016xi32, #tpu.memory_space<hbm>>
      %dma_wait3A_94 = tpu.memref_slice %arg3[%mul3A_10] : memref<108416xi32, #tpu.memory_space<hbm>> -> memref<6016xi32, #tpu.memory_space<hbm>>
      tpu.wait_dma2 semaphore(%run_scoped3A : memref<!tpu.dma_semaphore, #tpu.memory_space<semaphore_mem>>) src(%dma_wait3A_94 : memref<6016xi32, #tpu.memory_space<hbm>>) dst(%arg7 : memref<6016xi32, #tpu.memory_space<vmem>>)
      tpu.yield
    }) : () -> ()
    "tpu.region"() ({
      %run_scoped3A = tpu.sem_alloc : memref<!tpu.dma_semaphore, #tpu.memory_space<semaphore_mem>>
      %dma_start3A = tpu.memref_slice %arg4[%mul3A_10] : memref<108416xi32, #tpu.memory_space<hbm>> -> memref<6016xi32, #tpu.memory_space<hbm>>
      %dma_start3A_93 = tpu.memref_slice %arg4[%mul3A_10] : memref<108416xi32, #tpu.memory_space<hbm>> -> memref<6016xi32, #tpu.memory_space<hbm>>
      tpu.enqueue_dma source(%dma_start3A_93 : memref<6016xi32, #tpu.memory_space<hbm>>) target(%arg8 : memref<6016xi32, #tpu.memory_space<vmem>>) target_semaphore(%run_scoped3A : memref<!tpu.dma_semaphore, #tpu.memory_space<semaphore_mem>>)
      %dma_wait3A = tpu.memref_slice %arg4[%mul3A_10] : memref<108416xi32, #tpu.memory_space<hbm>> -> memref<6016xi32, #tpu.memory_space<hbm>>
      %dma_wait3A_94 = tpu.memref_slice %arg4[%mul3A_10] : memref<108416xi32, #tpu.memory_space<hbm>> -> memref<6016xi32, #tpu.memory_space<hbm>>
      tpu.wait_dma2 semaphore(%run_scoped3A : memref<!tpu.dma_semaphore, #tpu.memory_space<semaphore_mem>>) src(%dma_wait3A_94 : memref<6016xi32, #tpu.memory_space<hbm>>) dst(%arg8 : memref<6016xi32, #tpu.memory_space<vmem>>)
      tpu.yield
    }) : () -> ()
    %gt3A = arith.constant 0 : i32
    %gt3A_33 = arith.cmpi sgt, %select_n3A, %gt3A : i32
    %convert_element_type3A = arith.extui %gt3A_33 : i1 to i32
    %cond3A = arith.constant 0 : i32
    %cond3A_34 = arith.cmpi ne, %convert_element_type3A, %cond3A : i32
    scf.if %cond3A_34 {
      %dma_start3A = arith.constant 0 : i32
      %dma_start3A_93 = tpu.memref_slice %arg7[%dma_start3A] : memref<6016xi32, #tpu.memory_space<vmem>> -> memref<128xi32, #tpu.memory_space<vmem>>
      %dma_start3A_94 = arith.constant 0 : i32
      %dma_start3A_95 = arith.constant 0 : i32
      %dma_start3A_96 = tpu.memref_slice %arg2[%dma_start3A_94, %dma_start3A_95] : memref<100000x128xf32, #tpu.memory_space<hbm>> -> memref<100000x128xf32, #tpu.memory_space<hbm>>
      tpu.enqueue_indirect_dma source(%dma_start3A_96 : memref<100000x128xf32, #tpu.memory_space<hbm>>) target(%arg9 : memref<128x128xf32, #tpu.memory_space<vmem>>) offsets(%dma_start3A_93 : memref<128xi32, #tpu.memory_space<vmem>>) semaphore(%arg13 : memref<!tpu.dma_semaphore, #tpu.memory_space<semaphore_mem>>)
    } else {
    }
    %gt3A_35 = arith.constant 1 : i32
    %gt3A_36 = arith.cmpi sgt, %select_n3A, %gt3A_35 : i32
    %convert_element_type3A_37 = arith.extui %gt3A_36 : i1 to i32
    %cond3A_38 = arith.constant 0 : i32
    %cond3A_39 = arith.cmpi ne, %convert_element_type3A_37, %cond3A_38 : i32
    scf.if %cond3A_39 {
      %dma_start3A = arith.constant 128 : i32
      %dma_start3A_93 = tpu.memref_slice %arg7[%dma_start3A] : memref<6016xi32, #tpu.memory_space<vmem>> -> memref<128xi32, #tpu.memory_space<vmem>>
      %dma_start3A_94 = arith.constant 0 : i32
      %dma_start3A_95 = arith.constant 0 : i32
      %dma_start3A_96 = tpu.memref_slice %arg2[%dma_start3A_94, %dma_start3A_95] : memref<100000x128xf32, #tpu.memory_space<hbm>> -> memref<100000x128xf32, #tpu.memory_space<hbm>>
      tpu.enqueue_indirect_dma source(%dma_start3A_96 : memref<100000x128xf32, #tpu.memory_space<hbm>>) target(%arg10 : memref<128x128xf32, #tpu.memory_space<vmem>>) offsets(%dma_start3A_93 : memref<128xi32, #tpu.memory_space<vmem>>) semaphore(%arg14 : memref<!tpu.dma_semaphore, #tpu.memory_space<semaphore_mem>>)
    } else {
    }
    %gt3A_40 = arith.constant 2 : i32
    %gt3A_41 = arith.cmpi sgt, %select_n3A, %gt3A_40 : i32
    %convert_element_type3A_42 = arith.extui %gt3A_41 : i1 to i32
    %cond3A_43 = arith.constant 0 : i32
    %cond3A_44 = arith.cmpi ne, %convert_element_type3A_42, %cond3A_43 : i32
    scf.if %cond3A_44 {
      %dma_start3A = arith.constant 256 : i32
      %dma_start3A_93 = tpu.memref_slice %arg7[%dma_start3A] : memref<6016xi32, #tpu.memory_space<vmem>> -> memref<128xi32, #tpu.memory_space<vmem>>
      %dma_start3A_94 = arith.constant 0 : i32
      %dma_start3A_95 = arith.constant 0 : i32
      %dma_start3A_96 = tpu.memref_slice %arg2[%dma_start3A_94, %dma_start3A_95] : memref<100000x128xf32, #tpu.memory_space<hbm>> -> memref<100000x128xf32, #tpu.memory_space<hbm>>
      tpu.enqueue_indirect_dma source(%dma_start3A_96 : memref<100000x128xf32, #tpu.memory_space<hbm>>) target(%arg11 : memref<128x128xf32, #tpu.memory_space<vmem>>) offsets(%dma_start3A_93 : memref<128xi32, #tpu.memory_space<vmem>>) semaphore(%arg15 : memref<!tpu.dma_semaphore, #tpu.memory_space<semaphore_mem>>)
    } else {
    }
    %gt3A_45 = arith.constant 3 : i32
    %gt3A_46 = arith.cmpi sgt, %select_n3A, %gt3A_45 : i32
    %convert_element_type3A_47 = arith.extui %gt3A_46 : i1 to i32
    %cond3A_48 = arith.constant 0 : i32
    %cond3A_49 = arith.cmpi ne, %convert_element_type3A_47, %cond3A_48 : i32
    scf.if %cond3A_49 {
      %dma_start3A = arith.constant 384 : i32
      %dma_start3A_93 = tpu.memref_slice %arg7[%dma_start3A] : memref<6016xi32, #tpu.memory_space<vmem>> -> memref<128xi32, #tpu.memory_space<vmem>>
      %dma_start3A_94 = arith.constant 0 : i32
      %dma_start3A_95 = arith.constant 0 : i32
      %dma_start3A_96 = tpu.memref_slice %arg2[%dma_start3A_94, %dma_start3A_95] : memref<100000x128xf32, #tpu.memory_space<hbm>> -> memref<100000x128xf32, #tpu.memory_space<hbm>>
      tpu.enqueue_indirect_dma source(%dma_start3A_96 : memref<100000x128xf32, #tpu.memory_space<hbm>>) target(%arg12 : memref<128x128xf32, #tpu.memory_space<vmem>>) offsets(%dma_start3A_93 : memref<128xi32, #tpu.memory_space<vmem>>) semaphore(%arg16 : memref<!tpu.dma_semaphore, #tpu.memory_space<semaphore_mem>>)
    } else {
    }
    %while3A = arith.constant 0 : i32
    %while3A_50 = arith.constant 0 : i32
    %while3A_51 = arith.subi %select_n3A_32, %while3A : i32
    %while3A_52 = arith.addi %while3A, %while3A_51 : i32
    %while3A_53 = arith.constant 1 : i32
    %while3A_54 = arith.divsi %while3A_51, %while3A_53 : i32
    %while3A_55 = arith.muli %while3A_54, %while3A_53 : i32
    %while3A_56 = arith.addi %while3A, %while3A_55 : i32
    %while3A_57 = arith.constant 1 : i32
    %while3A_58 = scf.for %while3A_93 = %while3A to %while3A_56 step %while3A_57 iter_args(%while3A_94 = %while3A_50) -> (i32)  : i32 {
      %mul3A_95 = arith.constant 4 : i32
      %mul3A_96 = arith.muli %while3A_93, %mul3A_95 : i32
      %add3A_97 = arith.constant 0 : i32
      %add3A_98 = arith.addi %mul3A_96, %add3A_97 : i32
      %lt3A = arith.cmpi slt, %add3A_98, %select_n3A : i32
      %convert_element_type3A_99 = arith.extui %lt3A : i1 to i32
      %cond3A_100 = arith.constant 0 : i32
      %cond3A_101 = arith.cmpi ne, %convert_element_type3A_99, %cond3A_100 : i32
      scf.if %cond3A_101 {
        %mul3A_151 = arith.constant 128 : i32
        %mul3A_152 = arith.muli %add3A_98, %mul3A_151 : i32
        %dma_wait3A = tpu.memref_slice %arg7[%mul3A_152] : memref<6016xi32, #tpu.memory_space<vmem>> -> memref<128xi32, #tpu.memory_space<vmem>>
        %dma_wait3A_153 = arith.constant 0 : i32
        %dma_wait3A_154 = arith.constant 0 : i32
        %dma_wait3A_155 = tpu.memref_slice %arg2[%dma_wait3A_153, %dma_wait3A_154] : memref<100000x128xf32, #tpu.memory_space<hbm>> -> memref<100000x128xf32, #tpu.memory_space<hbm>>
        tpu.wait_indirect_dma semaphore(%arg13 : memref<!tpu.dma_semaphore, #tpu.memory_space<semaphore_mem>>) src(%dma_wait3A_155 : memref<100000x128xf32, #tpu.memory_space<hbm>>) dst(%arg9 : memref<128x128xf32, #tpu.memory_space<vmem>>)
        %mul3A_156 = arith.constant 128 : i32
        %mul3A_157 = arith.muli %add3A_98, %mul3A_156 : i32
        %add3A_158 = arith.addi %mul3A_10, %mul3A_157 : i32
        "tpu.region"() ({
          %run_scoped3A = tpu.sem_alloc : memref<!tpu.dma_semaphore, #tpu.memory_space<semaphore_mem>>
          %dma_start3A = arith.constant 0 : i32
          %dma_start3A_159 = tpu.memref_slice %arg5[%add3A_158, %dma_start3A] : memref<102400x128xf32, #tpu.memory_space<hbm>> -> memref<128x128xf32, #tpu.memory_space<hbm>>
          %dma_start3A_160 = arith.constant 0 : i32
          %dma_start3A_161 = tpu.memref_slice %arg5[%add3A_158, %dma_start3A_160] : memref<102400x128xf32, #tpu.memory_space<hbm>> -> memref<128x128xf32, #tpu.memory_space<hbm>>
          tpu.enqueue_dma source(%arg9 : memref<128x128xf32, #tpu.memory_space<vmem>>) target(%dma_start3A_161 : memref<128x128xf32, #tpu.memory_space<hbm>>) target_semaphore(%run_scoped3A : memref<!tpu.dma_semaphore, #tpu.memory_space<semaphore_mem>>)
          %dma_wait3A_162 = arith.constant 0 : i32
          %dma_wait3A_163 = tpu.memref_slice %arg5[%add3A_158, %dma_wait3A_162] : memref<102400x128xf32, #tpu.memory_space<hbm>> -> memref<128x128xf32, #tpu.memory_space<hbm>>
          %dma_wait3A_164 = arith.constant 0 : i32
          %dma_wait3A_165 = tpu.memref_slice %arg5[%add3A_158, %dma_wait3A_164] : memref<102400x128xf32, #tpu.memory_space<hbm>> -> memref<128x128xf32, #tpu.memory_space<hbm>>
          tpu.wait_dma2 semaphore(%run_scoped3A : memref<!tpu.dma_semaphore, #tpu.memory_space<semaphore_mem>>) src(%arg9 : memref<128x128xf32, #tpu.memory_space<vmem>>) dst(%dma_wait3A_165 : memref<128x128xf32, #tpu.memory_space<hbm>>)
          tpu.yield
        }) : () -> ()
      } else {
      }
      %add3A_102 = arith.constant 4 : i32
      %add3A_103 = arith.addi %add3A_98, %add3A_102 : i32
      %lt3A_104 = arith.cmpi slt, %add3A_103, %select_n3A : i32
      %convert_element_type3A_105 = arith.extui %lt3A_104 : i1 to i32
      %cond3A_106 = arith.constant 0 : i32
      %cond3A_107 = arith.cmpi ne, %convert_element_type3A_105, %cond3A_106 : i32
      scf.if %cond3A_107 {
        %add3A_151 = arith.constant 4 : i32
        %add3A_152 = arith.addi %add3A_98, %add3A_151 : i32
        %mul3A_153 = arith.constant 128 : i32
        %mul3A_154 = arith.muli %add3A_152, %mul3A_153 : i32
        %dma_start3A = tpu.memref_slice %arg7[%mul3A_154] : memref<6016xi32, #tpu.memory_space<vmem>> -> memref<128xi32, #tpu.memory_space<vmem>>
        %dma_start3A_155 = arith.constant 0 : i32
        %dma_start3A_156 = arith.constant 0 : i32
        %dma_start3A_157 = tpu.memref_slice %arg2[%dma_start3A_155, %dma_start3A_156] : memref<100000x128xf32, #tpu.memory_space<hbm>> -> memref<100000x128xf32, #tpu.memory_space<hbm>>
        tpu.enqueue_indirect_dma source(%dma_start3A_157 : memref<100000x128xf32, #tpu.memory_space<hbm>>) target(%arg9 : memref<128x128xf32, #tpu.memory_space<vmem>>) offsets(%dma_start3A : memref<128xi32, #tpu.memory_space<vmem>>) semaphore(%arg13 : memref<!tpu.dma_semaphore, #tpu.memory_space<semaphore_mem>>)
      } else {
      }
      %mul3A_108 = arith.constant 4 : i32
      %mul3A_109 = arith.muli %while3A_93, %mul3A_108 : i32
      %add3A_110 = arith.constant 1 : i32
      %add3A_111 = arith.addi %mul3A_109, %add3A_110 : i32
      %lt3A_112 = arith.cmpi slt, %add3A_111, %select_n3A : i32
      %convert_element_type3A_113 = arith.extui %lt3A_112 : i1 to i32
      %cond3A_114 = arith.constant 0 : i32
      %cond3A_115 = arith.cmpi ne, %convert_element_type3A_113, %cond3A_114 : i32
      scf.if %cond3A_115 {
        %mul3A_151 = arith.constant 128 : i32
        %mul3A_152 = arith.muli %add3A_111, %mul3A_151 : i32
        %dma_wait3A = tpu.memref_slice %arg7[%mul3A_152] : memref<6016xi32, #tpu.memory_space<vmem>> -> memref<128xi32, #tpu.memory_space<vmem>>
        %dma_wait3A_153 = arith.constant 0 : i32
        %dma_wait3A_154 = arith.constant 0 : i32
        %dma_wait3A_155 = tpu.memref_slice %arg2[%dma_wait3A_153, %dma_wait3A_154] : memref<100000x128xf32, #tpu.memory_space<hbm>> -> memref<100000x128xf32, #tpu.memory_space<hbm>>
        tpu.wait_indirect_dma semaphore(%arg14 : memref<!tpu.dma_semaphore, #tpu.memory_space<semaphore_mem>>) src(%dma_wait3A_155 : memref<100000x128xf32, #tpu.memory_space<hbm>>) dst(%arg10 : memref<128x128xf32, #tpu.memory_space<vmem>>)
        %mul3A_156 = arith.constant 128 : i32
        %mul3A_157 = arith.muli %add3A_111, %mul3A_156 : i32
        %add3A_158 = arith.addi %mul3A_10, %mul3A_157 : i32
        "tpu.region"() ({
          %run_scoped3A = tpu.sem_alloc : memref<!tpu.dma_semaphore, #tpu.memory_space<semaphore_mem>>
          %dma_start3A = arith.constant 0 : i32
          %dma_start3A_159 = tpu.memref_slice %arg5[%add3A_158, %dma_start3A] : memref<102400x128xf32, #tpu.memory_space<hbm>> -> memref<128x128xf32, #tpu.memory_space<hbm>>
          %dma_start3A_160 = arith.constant 0 : i32
          %dma_start3A_161 = tpu.memref_slice %arg5[%add3A_158, %dma_start3A_160] : memref<102400x128xf32, #tpu.memory_space<hbm>> -> memref<128x128xf32, #tpu.memory_space<hbm>>
          tpu.enqueue_dma source(%arg10 : memref<128x128xf32, #tpu.memory_space<vmem>>) target(%dma_start3A_161 : memref<128x128xf32, #tpu.memory_space<hbm>>) target_semaphore(%run_scoped3A : memref<!tpu.dma_semaphore, #tpu.memory_space<semaphore_mem>>)
          %dma_wait3A_162 = arith.constant 0 : i32
          %dma_wait3A_163 = tpu.memref_slice %arg5[%add3A_158, %dma_wait3A_162] : memref<102400x128xf32, #tpu.memory_space<hbm>> -> memref<128x128xf32, #tpu.memory_space<hbm>>
          %dma_wait3A_164 = arith.constant 0 : i32
          %dma_wait3A_165 = tpu.memref_slice %arg5[%add3A_158, %dma_wait3A_164] : memref<102400x128xf32, #tpu.memory_space<hbm>> -> memref<128x128xf32, #tpu.memory_space<hbm>>
          tpu.wait_dma2 semaphore(%run_scoped3A : memref<!tpu.dma_semaphore, #tpu.memory_space<semaphore_mem>>) src(%arg10 : memref<128x128xf32, #tpu.memory_space<vmem>>) dst(%dma_wait3A_165 : memref<128x128xf32, #tpu.memory_space<hbm>>)
          tpu.yield
        }) : () -> ()
      } else {
      }
      %add3A_116 = arith.constant 4 : i32
      %add3A_117 = arith.addi %add3A_111, %add3A_116 : i32
      %lt3A_118 = arith.cmpi slt, %add3A_117, %select_n3A : i32
      %convert_element_type3A_119 = arith.extui %lt3A_118 : i1 to i32
      %cond3A_120 = arith.constant 0 : i32
      %cond3A_121 = arith.cmpi ne, %convert_element_type3A_119, %cond3A_120 : i32
      scf.if %cond3A_121 {
        %add3A_151 = arith.constant 4 : i32
        %add3A_152 = arith.addi %add3A_111, %add3A_151 : i32
        %mul3A_153 = arith.constant 128 : i32
        %mul3A_154 = arith.muli %add3A_152, %mul3A_153 : i32
        %dma_start3A = tpu.memref_slice %arg7[%mul3A_154] : memref<6016xi32, #tpu.memory_space<vmem>> -> memref<128xi32, #tpu.memory_space<vmem>>
        %dma_start3A_155 = arith.constant 0 : i32
        %dma_start3A_156 = arith.constant 0 : i32
        %dma_start3A_157 = tpu.memref_slice %arg2[%dma_start3A_155, %dma_start3A_156] : memref<100000x128xf32, #tpu.memory_space<hbm>> -> memref<100000x128xf32, #tpu.memory_space<hbm>>
        tpu.enqueue_indirect_dma source(%dma_start3A_157 : memref<100000x128xf32, #tpu.memory_space<hbm>>) target(%arg10 : memref<128x128xf32, #tpu.memory_space<vmem>>) offsets(%dma_start3A : memref<128xi32, #tpu.memory_space<vmem>>) semaphore(%arg14 : memref<!tpu.dma_semaphore, #tpu.memory_space<semaphore_mem>>)
      } else {
      }
      %mul3A_122 = arith.constant 4 : i32
      %mul3A_123 = arith.muli %while3A_93, %mul3A_122 : i32
      %add3A_124 = arith.constant 2 : i32
      %add3A_125 = arith.addi %mul3A_123, %add3A_124 : i32
      %lt3A_126 = arith.cmpi slt, %add3A_125, %select_n3A : i32
      %convert_element_type3A_127 = arith.extui %lt3A_126 : i1 to i32
      %cond3A_128 = arith.constant 0 : i32
      %cond3A_129 = arith.cmpi ne, %convert_element_type3A_127, %cond3A_128 : i32
      scf.if %cond3A_129 {
        %mul3A_151 = arith.constant 128 : i32
        %mul3A_152 = arith.muli %add3A_125, %mul3A_151 : i32
        %dma_wait3A = tpu.memref_slice %arg7[%mul3A_152] : memref<6016xi32, #tpu.memory_space<vmem>> -> memref<128xi32, #tpu.memory_space<vmem>>
        %dma_wait3A_153 = arith.constant 0 : i32
        %dma_wait3A_154 = arith.constant 0 : i32
        %dma_wait3A_155 = tpu.memref_slice %arg2[%dma_wait3A_153, %dma_wait3A_154] : memref<100000x128xf32, #tpu.memory_space<hbm>> -> memref<100000x128xf32, #tpu.memory_space<hbm>>
        tpu.wait_indirect_dma semaphore(%arg15 : memref<!tpu.dma_semaphore, #tpu.memory_space<semaphore_mem>>) src(%dma_wait3A_155 : memref<100000x128xf32, #tpu.memory_space<hbm>>) dst(%arg11 : memref<128x128xf32, #tpu.memory_space<vmem>>)
        %mul3A_156 = arith.constant 128 : i32
        %mul3A_157 = arith.muli %add3A_125, %mul3A_156 : i32
        %add3A_158 = arith.addi %mul3A_10, %mul3A_157 : i32
        "tpu.region"() ({
          %run_scoped3A = tpu.sem_alloc : memref<!tpu.dma_semaphore, #tpu.memory_space<semaphore_mem>>
          %dma_start3A = arith.constant 0 : i32
          %dma_start3A_159 = tpu.memref_slice %arg5[%add3A_158, %dma_start3A] : memref<102400x128xf32, #tpu.memory_space<hbm>> -> memref<128x128xf32, #tpu.memory_space<hbm>>
          %dma_start3A_160 = arith.constant 0 : i32
          %dma_start3A_161 = tpu.memref_slice %arg5[%add3A_158, %dma_start3A_160] : memref<102400x128xf32, #tpu.memory_space<hbm>> -> memref<128x128xf32, #tpu.memory_space<hbm>>
          tpu.enqueue_dma source(%arg11 : memref<128x128xf32, #tpu.memory_space<vmem>>) target(%dma_start3A_161 : memref<128x128xf32, #tpu.memory_space<hbm>>) target_semaphore(%run_scoped3A : memref<!tpu.dma_semaphore, #tpu.memory_space<semaphore_mem>>)
          %dma_wait3A_162 = arith.constant 0 : i32
          %dma_wait3A_163 = tpu.memref_slice %arg5[%add3A_158, %dma_wait3A_162] : memref<102400x128xf32, #tpu.memory_space<hbm>> -> memref<128x128xf32, #tpu.memory_space<hbm>>
          %dma_wait3A_164 = arith.constant 0 : i32
          %dma_wait3A_165 = tpu.memref_slice %arg5[%add3A_158, %dma_wait3A_164] : memref<102400x128xf32, #tpu.memory_space<hbm>> -> memref<128x128xf32, #tpu.memory_space<hbm>>
          tpu.wait_dma2 semaphore(%run_scoped3A : memref<!tpu.dma_semaphore, #tpu.memory_space<semaphore_mem>>) src(%arg11 : memref<128x128xf32, #tpu.memory_space<vmem>>) dst(%dma_wait3A_165 : memref<128x128xf32, #tpu.memory_space<hbm>>)
          tpu.yield
        }) : () -> ()
      } else {
      }
      %add3A_130 = arith.constant 4 : i32
      %add3A_131 = arith.addi %add3A_125, %add3A_130 : i32
      %lt3A_132 = arith.cmpi slt, %add3A_131, %select_n3A : i32
      %convert_element_type3A_133 = arith.extui %lt3A_132 : i1 to i32
      %cond3A_134 = arith.constant 0 : i32
      %cond3A_135 = arith.cmpi ne, %convert_element_type3A_133, %cond3A_134 : i32
      scf.if %cond3A_135 {
        %add3A_151 = arith.constant 4 : i32
        %add3A_152 = arith.addi %add3A_125, %add3A_151 : i32
        %mul3A_153 = arith.constant 128 : i32
        %mul3A_154 = arith.muli %add3A_152, %mul3A_153 : i32
        %dma_start3A = tpu.memref_slice %arg7[%mul3A_154] : memref<6016xi32, #tpu.memory_space<vmem>> -> memref<128xi32, #tpu.memory_space<vmem>>
        %dma_start3A_155 = arith.constant 0 : i32
        %dma_start3A_156 = arith.constant 0 : i32
        %dma_start3A_157 = tpu.memref_slice %arg2[%dma_start3A_155, %dma_start3A_156] : memref<100000x128xf32, #tpu.memory_space<hbm>> -> memref<100000x128xf32, #tpu.memory_space<hbm>>
        tpu.enqueue_indirect_dma source(%dma_start3A_157 : memref<100000x128xf32, #tpu.memory_space<hbm>>) target(%arg11 : memref<128x128xf32, #tpu.memory_space<vmem>>) offsets(%dma_start3A : memref<128xi32, #tpu.memory_space<vmem>>) semaphore(%arg15 : memref<!tpu.dma_semaphore, #tpu.memory_space<semaphore_mem>>)
      } else {
      }
      %mul3A_136 = arith.constant 4 : i32
      %mul3A_137 = arith.muli %while3A_93, %mul3A_136 : i32
      %add3A_138 = arith.constant 3 : i32
      %add3A_139 = arith.addi %mul3A_137, %add3A_138 : i32
      %lt3A_140 = arith.cmpi slt, %add3A_139, %select_n3A : i32
      %convert_element_type3A_141 = arith.extui %lt3A_140 : i1 to i32
      %cond3A_142 = arith.constant 0 : i32
      %cond3A_143 = arith.cmpi ne, %convert_element_type3A_141, %cond3A_142 : i32
      scf.if %cond3A_143 {
        %mul3A_151 = arith.constant 128 : i32
        %mul3A_152 = arith.muli %add3A_139, %mul3A_151 : i32
        %dma_wait3A = tpu.memref_slice %arg7[%mul3A_152] : memref<6016xi32, #tpu.memory_space<vmem>> -> memref<128xi32, #tpu.memory_space<vmem>>
        %dma_wait3A_153 = arith.constant 0 : i32
        %dma_wait3A_154 = arith.constant 0 : i32
        %dma_wait3A_155 = tpu.memref_slice %arg2[%dma_wait3A_153, %dma_wait3A_154] : memref<100000x128xf32, #tpu.memory_space<hbm>> -> memref<100000x128xf32, #tpu.memory_space<hbm>>
        tpu.wait_indirect_dma semaphore(%arg16 : memref<!tpu.dma_semaphore, #tpu.memory_space<semaphore_mem>>) src(%dma_wait3A_155 : memref<100000x128xf32, #tpu.memory_space<hbm>>) dst(%arg12 : memref<128x128xf32, #tpu.memory_space<vmem>>)
        %mul3A_156 = arith.constant 128 : i32
        %mul3A_157 = arith.muli %add3A_139, %mul3A_156 : i32
        %add3A_158 = arith.addi %mul3A_10, %mul3A_157 : i32
        "tpu.region"() ({
          %run_scoped3A = tpu.sem_alloc : memref<!tpu.dma_semaphore, #tpu.memory_space<semaphore_mem>>
          %dma_start3A = arith.constant 0 : i32
          %dma_start3A_159 = tpu.memref_slice %arg5[%add3A_158, %dma_start3A] : memref<102400x128xf32, #tpu.memory_space<hbm>> -> memref<128x128xf32, #tpu.memory_space<hbm>>
          %dma_start3A_160 = arith.constant 0 : i32
          %dma_start3A_161 = tpu.memref_slice %arg5[%add3A_158, %dma_start3A_160] : memref<102400x128xf32, #tpu.memory_space<hbm>> -> memref<128x128xf32, #tpu.memory_space<hbm>>
          tpu.enqueue_dma source(%arg12 : memref<128x128xf32, #tpu.memory_space<vmem>>) target(%dma_start3A_161 : memref<128x128xf32, #tpu.memory_space<hbm>>) target_semaphore(%run_scoped3A : memref<!tpu.dma_semaphore, #tpu.memory_space<semaphore_mem>>)
          %dma_wait3A_162 = arith.constant 0 : i32
          %dma_wait3A_163 = tpu.memref_slice %arg5[%add3A_158, %dma_wait3A_162] : memref<102400x128xf32, #tpu.memory_space<hbm>> -> memref<128x128xf32, #tpu.memory_space<hbm>>
          %dma_wait3A_164 = arith.constant 0 : i32
          %dma_wait3A_165 = tpu.memref_slice %arg5[%add3A_158, %dma_wait3A_164] : memref<102400x128xf32, #tpu.memory_space<hbm>> -> memref<128x128xf32, #tpu.memory_space<hbm>>
          tpu.wait_dma2 semaphore(%run_scoped3A : memref<!tpu.dma_semaphore, #tpu.memory_space<semaphore_mem>>) src(%arg12 : memref<128x128xf32, #tpu.memory_space<vmem>>) dst(%dma_wait3A_165 : memref<128x128xf32, #tpu.memory_space<hbm>>)
          tpu.yield
        }) : () -> ()
      } else {
      }
      %add3A_144 = arith.constant 4 : i32
      %add3A_145 = arith.addi %add3A_139, %add3A_144 : i32
      %lt3A_146 = arith.cmpi slt, %add3A_145, %select_n3A : i32
      %convert_element_type3A_147 = arith.extui %lt3A_146 : i1 to i32
      %cond3A_148 = arith.constant 0 : i32
      %cond3A_149 = arith.cmpi ne, %convert_element_type3A_147, %cond3A_148 : i32
      scf.if %cond3A_149 {
        %add3A_151 = arith.constant 4 : i32
        %add3A_152 = arith.addi %add3A_139, %add3A_151 : i32
        %mul3A_153 = arith.constant 128 : i32
        %mul3A_154 = arith.muli %add3A_152, %mul3A_153 : i32
        %dma_start3A = tpu.memref_slice %arg7[%mul3A_154] : memref<6016xi32, #tpu.memory_space<vmem>> -> memref<128xi32, #tpu.memory_space<vmem>>
        %dma_start3A_155 = arith.constant 0 : i32
        %dma_start3A_156 = arith.constant 0 : i32
        %dma_start3A_157 = tpu.memref_slice %arg2[%dma_start3A_155, %dma_start3A_156] : memref<100000x128xf32, #tpu.memory_space<hbm>> -> memref<100000x128xf32, #tpu.memory_space<hbm>>
        tpu.enqueue_indirect_dma source(%dma_start3A_157 : memref<100000x128xf32, #tpu.memory_space<hbm>>) target(%arg12 : memref<128x128xf32, #tpu.memory_space<vmem>>) offsets(%dma_start3A : memref<128xi32, #tpu.memory_space<vmem>>) semaphore(%arg16 : memref<!tpu.dma_semaphore, #tpu.memory_space<semaphore_mem>>)
      } else {
      }
      %while3A_150 = arith.constant 0 : i32
      scf.yield %while3A_150 : i32
    }
    %while3A_59 = arith.constant 1 : i32
    %while3A_60 = scf.for %while3A_93 = %while3A_56 to %while3A_52 step %while3A_59 iter_args(%while3A_94 = %while3A_58) -> (i32)  : i32 {
      %mul3A_95 = arith.constant 4 : i32
      %mul3A_96 = arith.muli %while3A_93, %mul3A_95 : i32
      %add3A_97 = arith.constant 0 : i32
      %add3A_98 = arith.addi %mul3A_96, %add3A_97 : i32
      %lt3A = arith.cmpi slt, %add3A_98, %select_n3A : i32
      %convert_element_type3A_99 = arith.extui %lt3A : i1 to i32
      %cond3A_100 = arith.constant 0 : i32
      %cond3A_101 = arith.cmpi ne, %convert_element_type3A_99, %cond3A_100 : i32
      scf.if %cond3A_101 {
        %mul3A_151 = arith.constant 128 : i32
        %mul3A_152 = arith.muli %add3A_98, %mul3A_151 : i32
        %dma_wait3A = tpu.memref_slice %arg7[%mul3A_152] : memref<6016xi32, #tpu.memory_space<vmem>> -> memref<128xi32, #tpu.memory_space<vmem>>
        %dma_wait3A_153 = arith.constant 0 : i32
        %dma_wait3A_154 = arith.constant 0 : i32
        %dma_wait3A_155 = tpu.memref_slice %arg2[%dma_wait3A_153, %dma_wait3A_154] : memref<100000x128xf32, #tpu.memory_space<hbm>> -> memref<100000x128xf32, #tpu.memory_space<hbm>>
        tpu.wait_indirect_dma semaphore(%arg13 : memref<!tpu.dma_semaphore, #tpu.memory_space<semaphore_mem>>) src(%dma_wait3A_155 : memref<100000x128xf32, #tpu.memory_space<hbm>>) dst(%arg9 : memref<128x128xf32, #tpu.memory_space<vmem>>)
        %mul3A_156 = arith.constant 128 : i32
        %mul3A_157 = arith.muli %add3A_98, %mul3A_156 : i32
        %add3A_158 = arith.addi %mul3A_10, %mul3A_157 : i32
        "tpu.region"() ({
          %run_scoped3A = tpu.sem_alloc : memref<!tpu.dma_semaphore, #tpu.memory_space<semaphore_mem>>
          %dma_start3A = arith.constant 0 : i32
          %dma_start3A_159 = tpu.memref_slice %arg5[%add3A_158, %dma_start3A] : memref<102400x128xf32, #tpu.memory_space<hbm>> -> memref<128x128xf32, #tpu.memory_space<hbm>>
          %dma_start3A_160 = arith.constant 0 : i32
          %dma_start3A_161 = tpu.memref_slice %arg5[%add3A_158, %dma_start3A_160] : memref<102400x128xf32, #tpu.memory_space<hbm>> -> memref<128x128xf32, #tpu.memory_space<hbm>>
          tpu.enqueue_dma source(%arg9 : memref<128x128xf32, #tpu.memory_space<vmem>>) target(%dma_start3A_161 : memref<128x128xf32, #tpu.memory_space<hbm>>) target_semaphore(%run_scoped3A : memref<!tpu.dma_semaphore, #tpu.memory_space<semaphore_mem>>)
          %dma_wait3A_162 = arith.constant 0 : i32
          %dma_wait3A_163 = tpu.memref_slice %arg5[%add3A_158, %dma_wait3A_162] : memref<102400x128xf32, #tpu.memory_space<hbm>> -> memref<128x128xf32, #tpu.memory_space<hbm>>
          %dma_wait3A_164 = arith.constant 0 : i32
          %dma_wait3A_165 = tpu.memref_slice %arg5[%add3A_158, %dma_wait3A_164] : memref<102400x128xf32, #tpu.memory_space<hbm>> -> memref<128x128xf32, #tpu.memory_space<hbm>>
          tpu.wait_dma2 semaphore(%run_scoped3A : memref<!tpu.dma_semaphore, #tpu.memory_space<semaphore_mem>>) src(%arg9 : memref<128x128xf32, #tpu.memory_space<vmem>>) dst(%dma_wait3A_165 : memref<128x128xf32, #tpu.memory_space<hbm>>)
          tpu.yield
        }) : () -> ()
      } else {
      }
      %add3A_102 = arith.constant 4 : i32
      %add3A_103 = arith.addi %add3A_98, %add3A_102 : i32
      %lt3A_104 = arith.cmpi slt, %add3A_103, %select_n3A : i32
      %convert_element_type3A_105 = arith.extui %lt3A_104 : i1 to i32
      %cond3A_106 = arith.constant 0 : i32
      %cond3A_107 = arith.cmpi ne, %convert_element_type3A_105, %cond3A_106 : i32
      scf.if %cond3A_107 {
        %add3A_151 = arith.constant 4 : i32
        %add3A_152 = arith.addi %add3A_98, %add3A_151 : i32
        %mul3A_153 = arith.constant 128 : i32
        %mul3A_154 = arith.muli %add3A_152, %mul3A_153 : i32
        %dma_start3A = tpu.memref_slice %arg7[%mul3A_154] : memref<6016xi32, #tpu.memory_space<vmem>> -> memref<128xi32, #tpu.memory_space<vmem>>
        %dma_start3A_155 = arith.constant 0 : i32
        %dma_start3A_156 = arith.constant 0 : i32
        %dma_start3A_157 = tpu.memref_slice %arg2[%dma_start3A_155, %dma_start3A_156] : memref<100000x128xf32, #tpu.memory_space<hbm>> -> memref<100000x128xf32, #tpu.memory_space<hbm>>
        tpu.enqueue_indirect_dma source(%dma_start3A_157 : memref<100000x128xf32, #tpu.memory_space<hbm>>) target(%arg9 : memref<128x128xf32, #tpu.memory_space<vmem>>) offsets(%dma_start3A : memref<128xi32, #tpu.memory_space<vmem>>) semaphore(%arg13 : memref<!tpu.dma_semaphore, #tpu.memory_space<semaphore_mem>>)
      } else {
      }
      %mul3A_108 = arith.constant 4 : i32
      %mul3A_109 = arith.muli %while3A_93, %mul3A_108 : i32
      %add3A_110 = arith.constant 1 : i32
      %add3A_111 = arith.addi %mul3A_109, %add3A_110 : i32
      %lt3A_112 = arith.cmpi slt, %add3A_111, %select_n3A : i32
      %convert_element_type3A_113 = arith.extui %lt3A_112 : i1 to i32
      %cond3A_114 = arith.constant 0 : i32
      %cond3A_115 = arith.cmpi ne, %convert_element_type3A_113, %cond3A_114 : i32
      scf.if %cond3A_115 {
        %mul3A_151 = arith.constant 128 : i32
        %mul3A_152 = arith.muli %add3A_111, %mul3A_151 : i32
        %dma_wait3A = tpu.memref_slice %arg7[%mul3A_152] : memref<6016xi32, #tpu.memory_space<vmem>> -> memref<128xi32, #tpu.memory_space<vmem>>
        %dma_wait3A_153 = arith.constant 0 : i32
        %dma_wait3A_154 = arith.constant 0 : i32
        %dma_wait3A_155 = tpu.memref_slice %arg2[%dma_wait3A_153, %dma_wait3A_154] : memref<100000x128xf32, #tpu.memory_space<hbm>> -> memref<100000x128xf32, #tpu.memory_space<hbm>>
        tpu.wait_indirect_dma semaphore(%arg14 : memref<!tpu.dma_semaphore, #tpu.memory_space<semaphore_mem>>) src(%dma_wait3A_155 : memref<100000x128xf32, #tpu.memory_space<hbm>>) dst(%arg10 : memref<128x128xf32, #tpu.memory_space<vmem>>)
        %mul3A_156 = arith.constant 128 : i32
        %mul3A_157 = arith.muli %add3A_111, %mul3A_156 : i32
        %add3A_158 = arith.addi %mul3A_10, %mul3A_157 : i32
        "tpu.region"() ({
          %run_scoped3A = tpu.sem_alloc : memref<!tpu.dma_semaphore, #tpu.memory_space<semaphore_mem>>
          %dma_start3A = arith.constant 0 : i32
          %dma_start3A_159 = tpu.memref_slice %arg5[%add3A_158, %dma_start3A] : memref<102400x128xf32, #tpu.memory_space<hbm>> -> memref<128x128xf32, #tpu.memory_space<hbm>>
          %dma_start3A_160 = arith.constant 0 : i32
          %dma_start3A_161 = tpu.memref_slice %arg5[%add3A_158, %dma_start3A_160] : memref<102400x128xf32, #tpu.memory_space<hbm>> -> memref<128x128xf32, #tpu.memory_space<hbm>>
          tpu.enqueue_dma source(%arg10 : memref<128x128xf32, #tpu.memory_space<vmem>>) target(%dma_start3A_161 : memref<128x128xf32, #tpu.memory_space<hbm>>) target_semaphore(%run_scoped3A : memref<!tpu.dma_semaphore, #tpu.memory_space<semaphore_mem>>)
          %dma_wait3A_162 = arith.constant 0 : i32
          %dma_wait3A_163 = tpu.memref_slice %arg5[%add3A_158, %dma_wait3A_162] : memref<102400x128xf32, #tpu.memory_space<hbm>> -> memref<128x128xf32, #tpu.memory_space<hbm>>
          %dma_wait3A_164 = arith.constant 0 : i32
          %dma_wait3A_165 = tpu.memref_slice %arg5[%add3A_158, %dma_wait3A_164] : memref<102400x128xf32, #tpu.memory_space<hbm>> -> memref<128x128xf32, #tpu.memory_space<hbm>>
          tpu.wait_dma2 semaphore(%run_scoped3A : memref<!tpu.dma_semaphore, #tpu.memory_space<semaphore_mem>>) src(%arg10 : memref<128x128xf32, #tpu.memory_space<vmem>>) dst(%dma_wait3A_165 : memref<128x128xf32, #tpu.memory_space<hbm>>)
          tpu.yield
        }) : () -> ()
      } else {
      }
      %add3A_116 = arith.constant 4 : i32
      %add3A_117 = arith.addi %add3A_111, %add3A_116 : i32
      %lt3A_118 = arith.cmpi slt, %add3A_117, %select_n3A : i32
      %convert_element_type3A_119 = arith.extui %lt3A_118 : i1 to i32
      %cond3A_120 = arith.constant 0 : i32
      %cond3A_121 = arith.cmpi ne, %convert_element_type3A_119, %cond3A_120 : i32
      scf.if %cond3A_121 {
        %add3A_151 = arith.constant 4 : i32
        %add3A_152 = arith.addi %add3A_111, %add3A_151 : i32
        %mul3A_153 = arith.constant 128 : i32
        %mul3A_154 = arith.muli %add3A_152, %mul3A_153 : i32
        %dma_start3A = tpu.memref_slice %arg7[%mul3A_154] : memref<6016xi32, #tpu.memory_space<vmem>> -> memref<128xi32, #tpu.memory_space<vmem>>
        %dma_start3A_155 = arith.constant 0 : i32
        %dma_start3A_156 = arith.constant 0 : i32
        %dma_start3A_157 = tpu.memref_slice %arg2[%dma_start3A_155, %dma_start3A_156] : memref<100000x128xf32, #tpu.memory_space<hbm>> -> memref<100000x128xf32, #tpu.memory_space<hbm>>
        tpu.enqueue_indirect_dma source(%dma_start3A_157 : memref<100000x128xf32, #tpu.memory_space<hbm>>) target(%arg10 : memref<128x128xf32, #tpu.memory_space<vmem>>) offsets(%dma_start3A : memref<128xi32, #tpu.memory_space<vmem>>) semaphore(%arg14 : memref<!tpu.dma_semaphore, #tpu.memory_space<semaphore_mem>>)
      } else {
      }
      %mul3A_122 = arith.constant 4 : i32
      %mul3A_123 = arith.muli %while3A_93, %mul3A_122 : i32
      %add3A_124 = arith.constant 2 : i32
      %add3A_125 = arith.addi %mul3A_123, %add3A_124 : i32
      %lt3A_126 = arith.cmpi slt, %add3A_125, %select_n3A : i32
      %convert_element_type3A_127 = arith.extui %lt3A_126 : i1 to i32
      %cond3A_128 = arith.constant 0 : i32
      %cond3A_129 = arith.cmpi ne, %convert_element_type3A_127, %cond3A_128 : i32
      scf.if %cond3A_129 {
        %mul3A_151 = arith.constant 128 : i32
        %mul3A_152 = arith.muli %add3A_125, %mul3A_151 : i32
        %dma_wait3A = tpu.memref_slice %arg7[%mul3A_152] : memref<6016xi32, #tpu.memory_space<vmem>> -> memref<128xi32, #tpu.memory_space<vmem>>
        %dma_wait3A_153 = arith.constant 0 : i32
        %dma_wait3A_154 = arith.constant 0 : i32
        %dma_wait3A_155 = tpu.memref_slice %arg2[%dma_wait3A_153, %dma_wait3A_154] : memref<100000x128xf32, #tpu.memory_space<hbm>> -> memref<100000x128xf32, #tpu.memory_space<hbm>>
        tpu.wait_indirect_dma semaphore(%arg15 : memref<!tpu.dma_semaphore, #tpu.memory_space<semaphore_mem>>) src(%dma_wait3A_155 : memref<100000x128xf32, #tpu.memory_space<hbm>>) dst(%arg11 : memref<128x128xf32, #tpu.memory_space<vmem>>)
        %mul3A_156 = arith.constant 128 : i32
        %mul3A_157 = arith.muli %add3A_125, %mul3A_156 : i32
        %add3A_158 = arith.addi %mul3A_10, %mul3A_157 : i32
        "tpu.region"() ({
          %run_scoped3A = tpu.sem_alloc : memref<!tpu.dma_semaphore, #tpu.memory_space<semaphore_mem>>
          %dma_start3A = arith.constant 0 : i32
          %dma_start3A_159 = tpu.memref_slice %arg5[%add3A_158, %dma_start3A] : memref<102400x128xf32, #tpu.memory_space<hbm>> -> memref<128x128xf32, #tpu.memory_space<hbm>>
          %dma_start3A_160 = arith.constant 0 : i32
          %dma_start3A_161 = tpu.memref_slice %arg5[%add3A_158, %dma_start3A_160] : memref<102400x128xf32, #tpu.memory_space<hbm>> -> memref<128x128xf32, #tpu.memory_space<hbm>>
          tpu.enqueue_dma source(%arg11 : memref<128x128xf32, #tpu.memory_space<vmem>>) target(%dma_start3A_161 : memref<128x128xf32, #tpu.memory_space<hbm>>) target_semaphore(%run_scoped3A : memref<!tpu.dma_semaphore, #tpu.memory_space<semaphore_mem>>)
          %dma_wait3A_162 = arith.constant 0 : i32
          %dma_wait3A_163 = tpu.memref_slice %arg5[%add3A_158, %dma_wait3A_162] : memref<102400x128xf32, #tpu.memory_space<hbm>> -> memref<128x128xf32, #tpu.memory_space<hbm>>
          %dma_wait3A_164 = arith.constant 0 : i32
          %dma_wait3A_165 = tpu.memref_slice %arg5[%add3A_158, %dma_wait3A_164] : memref<102400x128xf32, #tpu.memory_space<hbm>> -> memref<128x128xf32, #tpu.memory_space<hbm>>
          tpu.wait_dma2 semaphore(%run_scoped3A : memref<!tpu.dma_semaphore, #tpu.memory_space<semaphore_mem>>) src(%arg11 : memref<128x128xf32, #tpu.memory_space<vmem>>) dst(%dma_wait3A_165 : memref<128x128xf32, #tpu.memory_space<hbm>>)
          tpu.yield
        }) : () -> ()
      } else {
      }
      %add3A_130 = arith.constant 4 : i32
      %add3A_131 = arith.addi %add3A_125, %add3A_130 : i32
      %lt3A_132 = arith.cmpi slt, %add3A_131, %select_n3A : i32
      %convert_element_type3A_133 = arith.extui %lt3A_132 : i1 to i32
      %cond3A_134 = arith.constant 0 : i32
      %cond3A_135 = arith.cmpi ne, %convert_element_type3A_133, %cond3A_134 : i32
      scf.if %cond3A_135 {
        %add3A_151 = arith.constant 4 : i32
        %add3A_152 = arith.addi %add3A_125, %add3A_151 : i32
        %mul3A_153 = arith.constant 128 : i32
        %mul3A_154 = arith.muli %add3A_152, %mul3A_153 : i32
        %dma_start3A = tpu.memref_slice %arg7[%mul3A_154] : memref<6016xi32, #tpu.memory_space<vmem>> -> memref<128xi32, #tpu.memory_space<vmem>>
        %dma_start3A_155 = arith.constant 0 : i32
        %dma_start3A_156 = arith.constant 0 : i32
        %dma_start3A_157 = tpu.memref_slice %arg2[%dma_start3A_155, %dma_start3A_156] : memref<100000x128xf32, #tpu.memory_space<hbm>> -> memref<100000x128xf32, #tpu.memory_space<hbm>>
        tpu.enqueue_indirect_dma source(%dma_start3A_157 : memref<100000x128xf32, #tpu.memory_space<hbm>>) target(%arg11 : memref<128x128xf32, #tpu.memory_space<vmem>>) offsets(%dma_start3A : memref<128xi32, #tpu.memory_space<vmem>>) semaphore(%arg15 : memref<!tpu.dma_semaphore, #tpu.memory_space<semaphore_mem>>)
      } else {
      }
      %mul3A_136 = arith.constant 4 : i32
      %mul3A_137 = arith.muli %while3A_93, %mul3A_136 : i32
      %add3A_138 = arith.constant 3 : i32
      %add3A_139 = arith.addi %mul3A_137, %add3A_138 : i32
      %lt3A_140 = arith.cmpi slt, %add3A_139, %select_n3A : i32
      %convert_element_type3A_141 = arith.extui %lt3A_140 : i1 to i32
      %cond3A_142 = arith.constant 0 : i32
      %cond3A_143 = arith.cmpi ne, %convert_element_type3A_141, %cond3A_142 : i32
      scf.if %cond3A_143 {
        %mul3A_151 = arith.constant 128 : i32
        %mul3A_152 = arith.muli %add3A_139, %mul3A_151 : i32
        %dma_wait3A = tpu.memref_slice %arg7[%mul3A_152] : memref<6016xi32, #tpu.memory_space<vmem>> -> memref<128xi32, #tpu.memory_space<vmem>>
        %dma_wait3A_153 = arith.constant 0 : i32
        %dma_wait3A_154 = arith.constant 0 : i32
        %dma_wait3A_155 = tpu.memref_slice %arg2[%dma_wait3A_153, %dma_wait3A_154] : memref<100000x128xf32, #tpu.memory_space<hbm>> -> memref<100000x128xf32, #tpu.memory_space<hbm>>
        tpu.wait_indirect_dma semaphore(%arg16 : memref<!tpu.dma_semaphore, #tpu.memory_space<semaphore_mem>>) src(%dma_wait3A_155 : memref<100000x128xf32, #tpu.memory_space<hbm>>) dst(%arg12 : memref<128x128xf32, #tpu.memory_space<vmem>>)
        %mul3A_156 = arith.constant 128 : i32
        %mul3A_157 = arith.muli %add3A_139, %mul3A_156 : i32
        %add3A_158 = arith.addi %mul3A_10, %mul3A_157 : i32
        "tpu.region"() ({
          %run_scoped3A = tpu.sem_alloc : memref<!tpu.dma_semaphore, #tpu.memory_space<semaphore_mem>>
          %dma_start3A = arith.constant 0 : i32
          %dma_start3A_159 = tpu.memref_slice %arg5[%add3A_158, %dma_start3A] : memref<102400x128xf32, #tpu.memory_space<hbm>> -> memref<128x128xf32, #tpu.memory_space<hbm>>
          %dma_start3A_160 = arith.constant 0 : i32
          %dma_start3A_161 = tpu.memref_slice %arg5[%add3A_158, %dma_start3A_160] : memref<102400x128xf32, #tpu.memory_space<hbm>> -> memref<128x128xf32, #tpu.memory_space<hbm>>
          tpu.enqueue_dma source(%arg12 : memref<128x128xf32, #tpu.memory_space<vmem>>) target(%dma_start3A_161 : memref<128x128xf32, #tpu.memory_space<hbm>>) target_semaphore(%run_scoped3A : memref<!tpu.dma_semaphore, #tpu.memory_space<semaphore_mem>>)
          %dma_wait3A_162 = arith.constant 0 : i32
          %dma_wait3A_163 = tpu.memref_slice %arg5[%add3A_158, %dma_wait3A_162] : memref<102400x128xf32, #tpu.memory_space<hbm>> -> memref<128x128xf32, #tpu.memory_space<hbm>>
          %dma_wait3A_164 = arith.constant 0 : i32
          %dma_wait3A_165 = tpu.memref_slice %arg5[%add3A_158, %dma_wait3A_164] : memref<102400x128xf32, #tpu.memory_space<hbm>> -> memref<128x128xf32, #tpu.memory_space<hbm>>
          tpu.wait_dma2 semaphore(%run_scoped3A : memref<!tpu.dma_semaphore, #tpu.memory_space<semaphore_mem>>) src(%arg12 : memref<128x128xf32, #tpu.memory_space<vmem>>) dst(%dma_wait3A_165 : memref<128x128xf32, #tpu.memory_space<hbm>>)
          tpu.yield
        }) : () -> ()
      } else {
      }
      %add3A_144 = arith.constant 4 : i32
      %add3A_145 = arith.addi %add3A_139, %add3A_144 : i32
      %lt3A_146 = arith.cmpi slt, %add3A_145, %select_n3A : i32
      %convert_element_type3A_147 = arith.extui %lt3A_146 : i1 to i32
      %cond3A_148 = arith.constant 0 : i32
      %cond3A_149 = arith.cmpi ne, %convert_element_type3A_147, %cond3A_148 : i32
      scf.if %cond3A_149 {
        %add3A_151 = arith.constant 4 : i32
        %add3A_152 = arith.addi %add3A_139, %add3A_151 : i32
        %mul3A_153 = arith.constant 128 : i32
        %mul3A_154 = arith.muli %add3A_152, %mul3A_153 : i32
        %dma_start3A = tpu.memref_slice %arg7[%mul3A_154] : memref<6016xi32, #tpu.memory_space<vmem>> -> memref<128xi32, #tpu.memory_space<vmem>>
        %dma_start3A_155 = arith.constant 0 : i32
        %dma_start3A_156 = arith.constant 0 : i32
        %dma_start3A_157 = tpu.memref_slice %arg2[%dma_start3A_155, %dma_start3A_156] : memref<100000x128xf32, #tpu.memory_space<hbm>> -> memref<100000x128xf32, #tpu.memory_space<hbm>>
        tpu.enqueue_indirect_dma source(%dma_start3A_157 : memref<100000x128xf32, #tpu.memory_space<hbm>>) target(%arg12 : memref<128x128xf32, #tpu.memory_space<vmem>>) offsets(%dma_start3A : memref<128xi32, #tpu.memory_space<vmem>>) semaphore(%arg16 : memref<!tpu.dma_semaphore, #tpu.memory_space<semaphore_mem>>)
      } else {
      }
      %while3A_150 = arith.constant 0 : i32
      scf.yield %while3A_150 : i32
    }
    %gt3A_61 = arith.constant 0 : i32
    %gt3A_62 = arith.cmpi sgt, %select_n3A, %gt3A_61 : i32
    %convert_element_type3A_63 = arith.extui %gt3A_62 : i1 to i32
    %cond3A_64 = arith.constant 0 : i32
    %cond3A_65 = arith.cmpi ne, %convert_element_type3A_63, %cond3A_64 : i32
    scf.if %cond3A_65 {
      %dma_start3A = arith.constant 0 : i32
      %dma_start3A_93 = tpu.memref_slice %arg8[%dma_start3A] : memref<6016xi32, #tpu.memory_space<vmem>> -> memref<128xi32, #tpu.memory_space<vmem>>
      %dma_start3A_94 = arith.constant 0 : i32
      %dma_start3A_95 = arith.constant 0 : i32
      %dma_start3A_96 = tpu.memref_slice %arg2[%dma_start3A_94, %dma_start3A_95] : memref<100000x128xf32, #tpu.memory_space<hbm>> -> memref<100000x128xf32, #tpu.memory_space<hbm>>
      tpu.enqueue_indirect_dma source(%dma_start3A_96 : memref<100000x128xf32, #tpu.memory_space<hbm>>) target(%arg9 : memref<128x128xf32, #tpu.memory_space<vmem>>) offsets(%dma_start3A_93 : memref<128xi32, #tpu.memory_space<vmem>>) semaphore(%arg13 : memref<!tpu.dma_semaphore, #tpu.memory_space<semaphore_mem>>)
    } else {
    }
    %gt3A_66 = arith.constant 1 : i32
    %gt3A_67 = arith.cmpi sgt, %select_n3A, %gt3A_66 : i32
    %convert_element_type3A_68 = arith.extui %gt3A_67 : i1 to i32
    %cond3A_69 = arith.constant 0 : i32
    %cond3A_70 = arith.cmpi ne, %convert_element_type3A_68, %cond3A_69 : i32
    scf.if %cond3A_70 {
      %dma_start3A = arith.constant 128 : i32
      %dma_start3A_93 = tpu.memref_slice %arg8[%dma_start3A] : memref<6016xi32, #tpu.memory_space<vmem>> -> memref<128xi32, #tpu.memory_space<vmem>>
      %dma_start3A_94 = arith.constant 0 : i32
      %dma_start3A_95 = arith.constant 0 : i32
      %dma_start3A_96 = tpu.memref_slice %arg2[%dma_start3A_94, %dma_start3A_95] : memref<100000x128xf32, #tpu.memory_space<hbm>> -> memref<100000x128xf32, #tpu.memory_space<hbm>>
      tpu.enqueue_indirect_dma source(%dma_start3A_96 : memref<100000x128xf32, #tpu.memory_space<hbm>>) target(%arg10 : memref<128x128xf32, #tpu.memory_space<vmem>>) offsets(%dma_start3A_93 : memref<128xi32, #tpu.memory_space<vmem>>) semaphore(%arg14 : memref<!tpu.dma_semaphore, #tpu.memory_space<semaphore_mem>>)
    } else {
    }
    %gt3A_71 = arith.constant 2 : i32
    %gt3A_72 = arith.cmpi sgt, %select_n3A, %gt3A_71 : i32
    %convert_element_type3A_73 = arith.extui %gt3A_72 : i1 to i32
    %cond3A_74 = arith.constant 0 : i32
    %cond3A_75 = arith.cmpi ne, %convert_element_type3A_73, %cond3A_74 : i32
    scf.if %cond3A_75 {
      %dma_start3A = arith.constant 256 : i32
      %dma_start3A_93 = tpu.memref_slice %arg8[%dma_start3A] : memref<6016xi32, #tpu.memory_space<vmem>> -> memref<128xi32, #tpu.memory_space<vmem>>
      %dma_start3A_94 = arith.constant 0 : i32
      %dma_start3A_95 = arith.constant 0 : i32
      %dma_start3A_96 = tpu.memref_slice %arg2[%dma_start3A_94, %dma_start3A_95] : memref<100000x128xf32, #tpu.memory_space<hbm>> -> memref<100000x128xf32, #tpu.memory_space<hbm>>
      tpu.enqueue_indirect_dma source(%dma_start3A_96 : memref<100000x128xf32, #tpu.memory_space<hbm>>) target(%arg11 : memref<128x128xf32, #tpu.memory_space<vmem>>) offsets(%dma_start3A_93 : memref<128xi32, #tpu.memory_space<vmem>>) semaphore(%arg15 : memref<!tpu.dma_semaphore, #tpu.memory_space<semaphore_mem>>)
    } else {
    }
    %gt3A_76 = arith.constant 3 : i32
    %gt3A_77 = arith.cmpi sgt, %select_n3A, %gt3A_76 : i32
    %convert_element_type3A_78 = arith.extui %gt3A_77 : i1 to i32
    %cond3A_79 = arith.constant 0 : i32
    %cond3A_80 = arith.cmpi ne, %convert_element_type3A_78, %cond3A_79 : i32
    scf.if %cond3A_80 {
      %dma_start3A = arith.constant 384 : i32
      %dma_start3A_93 = tpu.memref_slice %arg8[%dma_start3A] : memref<6016xi32, #tpu.memory_space<vmem>> -> memref<128xi32, #tpu.memory_space<vmem>>
      %dma_start3A_94 = arith.constant 0 : i32
      %dma_start3A_95 = arith.constant 0 : i32
      %dma_start3A_96 = tpu.memref_slice %arg2[%dma_start3A_94, %dma_start3A_95] : memref<100000x128xf32, #tpu.memory_space<hbm>> -> memref<100000x128xf32, #tpu.memory_space<hbm>>
      tpu.enqueue_indirect_dma source(%dma_start3A_96 : memref<100000x128xf32, #tpu.memory_space<hbm>>) target(%arg12 : memref<128x128xf32, #tpu.memory_space<vmem>>) offsets(%dma_start3A_93 : memref<128xi32, #tpu.memory_space<vmem>>) semaphore(%arg16 : memref<!tpu.dma_semaphore, #tpu.memory_space<semaphore_mem>>)
    } else {
    }
    %while3A_81 = arith.constant 0 : i32
    %while3A_82 = arith.constant 0 : i32
    %while3A_83 = arith.subi %select_n3A_32, %while3A_81 : i32
    %while3A_84 = arith.addi %while3A_81, %while3A_83 : i32
    %while3A_85 = arith.constant 1 : i32
    %while3A_86 = arith.divsi %while3A_83, %while3A_85 : i32
    %while3A_87 = arith.muli %while3A_86, %while3A_85 : i32
    %while3A_88 = arith.addi %while3A_81, %while3A_87 : i32
    %while3A_89 = arith.constant 1 : i32
    %while3A_90 = scf.for %while3A_93 = %while3A_81 to %while3A_88 step %while3A_89 iter_args(%while3A_94 = %while3A_82) -> (i32)  : i32 {
      %mul3A_95 = arith.constant 4 : i32
      %mul3A_96 = arith.muli %while3A_93, %mul3A_95 : i32
      %add3A_97 = arith.constant 0 : i32
      %add3A_98 = arith.addi %mul3A_96, %add3A_97 : i32
      %lt3A = arith.cmpi slt, %add3A_98, %select_n3A : i32
      %convert_element_type3A_99 = arith.extui %lt3A : i1 to i32
      %cond3A_100 = arith.constant 0 : i32
      %cond3A_101 = arith.cmpi ne, %convert_element_type3A_99, %cond3A_100 : i32
      scf.if %cond3A_101 {
        %mul3A_151 = arith.constant 128 : i32
        %mul3A_152 = arith.muli %add3A_98, %mul3A_151 : i32
        %dma_wait3A = tpu.memref_slice %arg8[%mul3A_152] : memref<6016xi32, #tpu.memory_space<vmem>> -> memref<128xi32, #tpu.memory_space<vmem>>
        %dma_wait3A_153 = arith.constant 0 : i32
        %dma_wait3A_154 = arith.constant 0 : i32
        %dma_wait3A_155 = tpu.memref_slice %arg2[%dma_wait3A_153, %dma_wait3A_154] : memref<100000x128xf32, #tpu.memory_space<hbm>> -> memref<100000x128xf32, #tpu.memory_space<hbm>>
        tpu.wait_indirect_dma semaphore(%arg13 : memref<!tpu.dma_semaphore, #tpu.memory_space<semaphore_mem>>) src(%dma_wait3A_155 : memref<100000x128xf32, #tpu.memory_space<hbm>>) dst(%arg9 : memref<128x128xf32, #tpu.memory_space<vmem>>)
        %mul3A_156 = arith.constant 128 : i32
        %mul3A_157 = arith.muli %add3A_98, %mul3A_156 : i32
        %add3A_158 = arith.addi %mul3A_10, %mul3A_157 : i32
        "tpu.region"() ({
          %run_scoped3A = tpu.sem_alloc : memref<!tpu.dma_semaphore, #tpu.memory_space<semaphore_mem>>
          %dma_start3A = arith.constant 0 : i32
          %dma_start3A_159 = tpu.memref_slice %arg6[%add3A_158, %dma_start3A] : memref<102400x128xf32, #tpu.memory_space<hbm>> -> memref<128x128xf32, #tpu.memory_space<hbm>>
          %dma_start3A_160 = arith.constant 0 : i32
          %dma_start3A_161 = tpu.memref_slice %arg6[%add3A_158, %dma_start3A_160] : memref<102400x128xf32, #tpu.memory_space<hbm>> -> memref<128x128xf32, #tpu.memory_space<hbm>>
          tpu.enqueue_dma source(%arg9 : memref<128x128xf32, #tpu.memory_space<vmem>>) target(%dma_start3A_161 : memref<128x128xf32, #tpu.memory_space<hbm>>) target_semaphore(%run_scoped3A : memref<!tpu.dma_semaphore, #tpu.memory_space<semaphore_mem>>)
          %dma_wait3A_162 = arith.constant 0 : i32
          %dma_wait3A_163 = tpu.memref_slice %arg6[%add3A_158, %dma_wait3A_162] : memref<102400x128xf32, #tpu.memory_space<hbm>> -> memref<128x128xf32, #tpu.memory_space<hbm>>
          %dma_wait3A_164 = arith.constant 0 : i32
          %dma_wait3A_165 = tpu.memref_slice %arg6[%add3A_158, %dma_wait3A_164] : memref<102400x128xf32, #tpu.memory_space<hbm>> -> memref<128x128xf32, #tpu.memory_space<hbm>>
          tpu.wait_dma2 semaphore(%run_scoped3A : memref<!tpu.dma_semaphore, #tpu.memory_space<semaphore_mem>>) src(%arg9 : memref<128x128xf32, #tpu.memory_space<vmem>>) dst(%dma_wait3A_165 : memref<128x128xf32, #tpu.memory_space<hbm>>)
          tpu.yield
        }) : () -> ()
      } else {
      }
      %add3A_102 = arith.constant 4 : i32
      %add3A_103 = arith.addi %add3A_98, %add3A_102 : i32
      %lt3A_104 = arith.cmpi slt, %add3A_103, %select_n3A : i32
      %convert_element_type3A_105 = arith.extui %lt3A_104 : i1 to i32
      %cond3A_106 = arith.constant 0 : i32
      %cond3A_107 = arith.cmpi ne, %convert_element_type3A_105, %cond3A_106 : i32
      scf.if %cond3A_107 {
        %add3A_151 = arith.constant 4 : i32
        %add3A_152 = arith.addi %add3A_98, %add3A_151 : i32
        %mul3A_153 = arith.constant 128 : i32
        %mul3A_154 = arith.muli %add3A_152, %mul3A_153 : i32
        %dma_start3A = tpu.memref_slice %arg8[%mul3A_154] : memref<6016xi32, #tpu.memory_space<vmem>> -> memref<128xi32, #tpu.memory_space<vmem>>
        %dma_start3A_155 = arith.constant 0 : i32
        %dma_start3A_156 = arith.constant 0 : i32
        %dma_start3A_157 = tpu.memref_slice %arg2[%dma_start3A_155, %dma_start3A_156] : memref<100000x128xf32, #tpu.memory_space<hbm>> -> memref<100000x128xf32, #tpu.memory_space<hbm>>
        tpu.enqueue_indirect_dma source(%dma_start3A_157 : memref<100000x128xf32, #tpu.memory_space<hbm>>) target(%arg9 : memref<128x128xf32, #tpu.memory_space<vmem>>) offsets(%dma_start3A : memref<128xi32, #tpu.memory_space<vmem>>) semaphore(%arg13 : memref<!tpu.dma_semaphore, #tpu.memory_space<semaphore_mem>>)
      } else {
      }
      %mul3A_108 = arith.constant 4 : i32
      %mul3A_109 = arith.muli %while3A_93, %mul3A_108 : i32
      %add3A_110 = arith.constant 1 : i32
      %add3A_111 = arith.addi %mul3A_109, %add3A_110 : i32
      %lt3A_112 = arith.cmpi slt, %add3A_111, %select_n3A : i32
      %convert_element_type3A_113 = arith.extui %lt3A_112 : i1 to i32
      %cond3A_114 = arith.constant 0 : i32
      %cond3A_115 = arith.cmpi ne, %convert_element_type3A_113, %cond3A_114 : i32
      scf.if %cond3A_115 {
        %mul3A_151 = arith.constant 128 : i32
        %mul3A_152 = arith.muli %add3A_111, %mul3A_151 : i32
        %dma_wait3A = tpu.memref_slice %arg8[%mul3A_152] : memref<6016xi32, #tpu.memory_space<vmem>> -> memref<128xi32, #tpu.memory_space<vmem>>
        %dma_wait3A_153 = arith.constant 0 : i32
        %dma_wait3A_154 = arith.constant 0 : i32
        %dma_wait3A_155 = tpu.memref_slice %arg2[%dma_wait3A_153, %dma_wait3A_154] : memref<100000x128xf32, #tpu.memory_space<hbm>> -> memref<100000x128xf32, #tpu.memory_space<hbm>>
        tpu.wait_indirect_dma semaphore(%arg14 : memref<!tpu.dma_semaphore, #tpu.memory_space<semaphore_mem>>) src(%dma_wait3A_155 : memref<100000x128xf32, #tpu.memory_space<hbm>>) dst(%arg10 : memref<128x128xf32, #tpu.memory_space<vmem>>)
        %mul3A_156 = arith.constant 128 : i32
        %mul3A_157 = arith.muli %add3A_111, %mul3A_156 : i32
        %add3A_158 = arith.addi %mul3A_10, %mul3A_157 : i32
        "tpu.region"() ({
          %run_scoped3A = tpu.sem_alloc : memref<!tpu.dma_semaphore, #tpu.memory_space<semaphore_mem>>
          %dma_start3A = arith.constant 0 : i32
          %dma_start3A_159 = tpu.memref_slice %arg6[%add3A_158, %dma_start3A] : memref<102400x128xf32, #tpu.memory_space<hbm>> -> memref<128x128xf32, #tpu.memory_space<hbm>>
          %dma_start3A_160 = arith.constant 0 : i32
          %dma_start3A_161 = tpu.memref_slice %arg6[%add3A_158, %dma_start3A_160] : memref<102400x128xf32, #tpu.memory_space<hbm>> -> memref<128x128xf32, #tpu.memory_space<hbm>>
          tpu.enqueue_dma source(%arg10 : memref<128x128xf32, #tpu.memory_space<vmem>>) target(%dma_start3A_161 : memref<128x128xf32, #tpu.memory_space<hbm>>) target_semaphore(%run_scoped3A : memref<!tpu.dma_semaphore, #tpu.memory_space<semaphore_mem>>)
          %dma_wait3A_162 = arith.constant 0 : i32
          %dma_wait3A_163 = tpu.memref_slice %arg6[%add3A_158, %dma_wait3A_162] : memref<102400x128xf32, #tpu.memory_space<hbm>> -> memref<128x128xf32, #tpu.memory_space<hbm>>
          %dma_wait3A_164 = arith.constant 0 : i32
          %dma_wait3A_165 = tpu.memref_slice %arg6[%add3A_158, %dma_wait3A_164] : memref<102400x128xf32, #tpu.memory_space<hbm>> -> memref<128x128xf32, #tpu.memory_space<hbm>>
          tpu.wait_dma2 semaphore(%run_scoped3A : memref<!tpu.dma_semaphore, #tpu.memory_space<semaphore_mem>>) src(%arg10 : memref<128x128xf32, #tpu.memory_space<vmem>>) dst(%dma_wait3A_165 : memref<128x128xf32, #tpu.memory_space<hbm>>)
          tpu.yield
        }) : () -> ()
      } else {
      }
      %add3A_116 = arith.constant 4 : i32
      %add3A_117 = arith.addi %add3A_111, %add3A_116 : i32
      %lt3A_118 = arith.cmpi slt, %add3A_117, %select_n3A : i32
      %convert_element_type3A_119 = arith.extui %lt3A_118 : i1 to i32
      %cond3A_120 = arith.constant 0 : i32
      %cond3A_121 = arith.cmpi ne, %convert_element_type3A_119, %cond3A_120 : i32
      scf.if %cond3A_121 {
        %add3A_151 = arith.constant 4 : i32
        %add3A_152 = arith.addi %add3A_111, %add3A_151 : i32
        %mul3A_153 = arith.constant 128 : i32
        %mul3A_154 = arith.muli %add3A_152, %mul3A_153 : i32
        %dma_start3A = tpu.memref_slice %arg8[%mul3A_154] : memref<6016xi32, #tpu.memory_space<vmem>> -> memref<128xi32, #tpu.memory_space<vmem>>
        %dma_start3A_155 = arith.constant 0 : i32
        %dma_start3A_156 = arith.constant 0 : i32
        %dma_start3A_157 = tpu.memref_slice %arg2[%dma_start3A_155, %dma_start3A_156] : memref<100000x128xf32, #tpu.memory_space<hbm>> -> memref<100000x128xf32, #tpu.memory_space<hbm>>
        tpu.enqueue_indirect_dma source(%dma_start3A_157 : memref<100000x128xf32, #tpu.memory_space<hbm>>) target(%arg10 : memref<128x128xf32, #tpu.memory_space<vmem>>) offsets(%dma_start3A : memref<128xi32, #tpu.memory_space<vmem>>) semaphore(%arg14 : memref<!tpu.dma_semaphore, #tpu.memory_space<semaphore_mem>>)
      } else {
      }
      %mul3A_122 = arith.constant 4 : i32
      %mul3A_123 = arith.muli %while3A_93, %mul3A_122 : i32
      %add3A_124 = arith.constant 2 : i32
      %add3A_125 = arith.addi %mul3A_123, %add3A_124 : i32
      %lt3A_126 = arith.cmpi slt, %add3A_125, %select_n3A : i32
      %convert_element_type3A_127 = arith.extui %lt3A_126 : i1 to i32
      %cond3A_128 = arith.constant 0 : i32
      %cond3A_129 = arith.cmpi ne, %convert_element_type3A_127, %cond3A_128 : i32
      scf.if %cond3A_129 {
        %mul3A_151 = arith.constant 128 : i32
        %mul3A_152 = arith.muli %add3A_125, %mul3A_151 : i32
        %dma_wait3A = tpu.memref_slice %arg8[%mul3A_152] : memref<6016xi32, #tpu.memory_space<vmem>> -> memref<128xi32, #tpu.memory_space<vmem>>
        %dma_wait3A_153 = arith.constant 0 : i32
        %dma_wait3A_154 = arith.constant 0 : i32
        %dma_wait3A_155 = tpu.memref_slice %arg2[%dma_wait3A_153, %dma_wait3A_154] : memref<100000x128xf32, #tpu.memory_space<hbm>> -> memref<100000x128xf32, #tpu.memory_space<hbm>>
        tpu.wait_indirect_dma semaphore(%arg15 : memref<!tpu.dma_semaphore, #tpu.memory_space<semaphore_mem>>) src(%dma_wait3A_155 : memref<100000x128xf32, #tpu.memory_space<hbm>>) dst(%arg11 : memref<128x128xf32, #tpu.memory_space<vmem>>)
        %mul3A_156 = arith.constant 128 : i32
        %mul3A_157 = arith.muli %add3A_125, %mul3A_156 : i32
        %add3A_158 = arith.addi %mul3A_10, %mul3A_157 : i32
        "tpu.region"() ({
          %run_scoped3A = tpu.sem_alloc : memref<!tpu.dma_semaphore, #tpu.memory_space<semaphore_mem>>
          %dma_start3A = arith.constant 0 : i32
          %dma_start3A_159 = tpu.memref_slice %arg6[%add3A_158, %dma_start3A] : memref<102400x128xf32, #tpu.memory_space<hbm>> -> memref<128x128xf32, #tpu.memory_space<hbm>>
          %dma_start3A_160 = arith.constant 0 : i32
          %dma_start3A_161 = tpu.memref_slice %arg6[%add3A_158, %dma_start3A_160] : memref<102400x128xf32, #tpu.memory_space<hbm>> -> memref<128x128xf32, #tpu.memory_space<hbm>>
          tpu.enqueue_dma source(%arg11 : memref<128x128xf32, #tpu.memory_space<vmem>>) target(%dma_start3A_161 : memref<128x128xf32, #tpu.memory_space<hbm>>) target_semaphore(%run_scoped3A : memref<!tpu.dma_semaphore, #tpu.memory_space<semaphore_mem>>)
          %dma_wait3A_162 = arith.constant 0 : i32
          %dma_wait3A_163 = tpu.memref_slice %arg6[%add3A_158, %dma_wait3A_162] : memref<102400x128xf32, #tpu.memory_space<hbm>> -> memref<128x128xf32, #tpu.memory_space<hbm>>
          %dma_wait3A_164 = arith.constant 0 : i32
          %dma_wait3A_165 = tpu.memref_slice %arg6[%add3A_158, %dma_wait3A_164] : memref<102400x128xf32, #tpu.memory_space<hbm>> -> memref<128x128xf32, #tpu.memory_space<hbm>>
          tpu.wait_dma2 semaphore(%run_scoped3A : memref<!tpu.dma_semaphore, #tpu.memory_space<semaphore_mem>>) src(%arg11 : memref<128x128xf32, #tpu.memory_space<vmem>>) dst(%dma_wait3A_165 : memref<128x128xf32, #tpu.memory_space<hbm>>)
          tpu.yield
        }) : () -> ()
      } else {
      }
      %add3A_130 = arith.constant 4 : i32
      %add3A_131 = arith.addi %add3A_125, %add3A_130 : i32
      %lt3A_132 = arith.cmpi slt, %add3A_131, %select_n3A : i32
      %convert_element_type3A_133 = arith.extui %lt3A_132 : i1 to i32
      %cond3A_134 = arith.constant 0 : i32
      %cond3A_135 = arith.cmpi ne, %convert_element_type3A_133, %cond3A_134 : i32
      scf.if %cond3A_135 {
        %add3A_151 = arith.constant 4 : i32
        %add3A_152 = arith.addi %add3A_125, %add3A_151 : i32
        %mul3A_153 = arith.constant 128 : i32
        %mul3A_154 = arith.muli %add3A_152, %mul3A_153 : i32
        %dma_start3A = tpu.memref_slice %arg8[%mul3A_154] : memref<6016xi32, #tpu.memory_space<vmem>> -> memref<128xi32, #tpu.memory_space<vmem>>
        %dma_start3A_155 = arith.constant 0 : i32
        %dma_start3A_156 = arith.constant 0 : i32
        %dma_start3A_157 = tpu.memref_slice %arg2[%dma_start3A_155, %dma_start3A_156] : memref<100000x128xf32, #tpu.memory_space<hbm>> -> memref<100000x128xf32, #tpu.memory_space<hbm>>
        tpu.enqueue_indirect_dma source(%dma_start3A_157 : memref<100000x128xf32, #tpu.memory_space<hbm>>) target(%arg11 : memref<128x128xf32, #tpu.memory_space<vmem>>) offsets(%dma_start3A : memref<128xi32, #tpu.memory_space<vmem>>) semaphore(%arg15 : memref<!tpu.dma_semaphore, #tpu.memory_space<semaphore_mem>>)
      } else {
      }
      %mul3A_136 = arith.constant 4 : i32
      %mul3A_137 = arith.muli %while3A_93, %mul3A_136 : i32
      %add3A_138 = arith.constant 3 : i32
      %add3A_139 = arith.addi %mul3A_137, %add3A_138 : i32
      %lt3A_140 = arith.cmpi slt, %add3A_139, %select_n3A : i32
      %convert_element_type3A_141 = arith.extui %lt3A_140 : i1 to i32
      %cond3A_142 = arith.constant 0 : i32
      %cond3A_143 = arith.cmpi ne, %convert_element_type3A_141, %cond3A_142 : i32
      scf.if %cond3A_143 {
        %mul3A_151 = arith.constant 128 : i32
        %mul3A_152 = arith.muli %add3A_139, %mul3A_151 : i32
        %dma_wait3A = tpu.memref_slice %arg8[%mul3A_152] : memref<6016xi32, #tpu.memory_space<vmem>> -> memref<128xi32, #tpu.memory_space<vmem>>
        %dma_wait3A_153 = arith.constant 0 : i32
        %dma_wait3A_154 = arith.constant 0 : i32
        %dma_wait3A_155 = tpu.memref_slice %arg2[%dma_wait3A_153, %dma_wait3A_154] : memref<100000x128xf32, #tpu.memory_space<hbm>> -> memref<100000x128xf32, #tpu.memory_space<hbm>>
        tpu.wait_indirect_dma semaphore(%arg16 : memref<!tpu.dma_semaphore, #tpu.memory_space<semaphore_mem>>) src(%dma_wait3A_155 : memref<100000x128xf32, #tpu.memory_space<hbm>>) dst(%arg12 : memref<128x128xf32, #tpu.memory_space<vmem>>)
        %mul3A_156 = arith.constant 128 : i32
        %mul3A_157 = arith.muli %add3A_139, %mul3A_156 : i32
        %add3A_158 = arith.addi %mul3A_10, %mul3A_157 : i32
        "tpu.region"() ({
          %run_scoped3A = tpu.sem_alloc : memref<!tpu.dma_semaphore, #tpu.memory_space<semaphore_mem>>
          %dma_start3A = arith.constant 0 : i32
          %dma_start3A_159 = tpu.memref_slice %arg6[%add3A_158, %dma_start3A] : memref<102400x128xf32, #tpu.memory_space<hbm>> -> memref<128x128xf32, #tpu.memory_space<hbm>>
          %dma_start3A_160 = arith.constant 0 : i32
          %dma_start3A_161 = tpu.memref_slice %arg6[%add3A_158, %dma_start3A_160] : memref<102400x128xf32, #tpu.memory_space<hbm>> -> memref<128x128xf32, #tpu.memory_space<hbm>>
          tpu.enqueue_dma source(%arg12 : memref<128x128xf32, #tpu.memory_space<vmem>>) target(%dma_start3A_161 : memref<128x128xf32, #tpu.memory_space<hbm>>) target_semaphore(%run_scoped3A : memref<!tpu.dma_semaphore, #tpu.memory_space<semaphore_mem>>)
          %dma_wait3A_162 = arith.constant 0 : i32
          %dma_wait3A_163 = tpu.memref_slice %arg6[%add3A_158, %dma_wait3A_162] : memref<102400x128xf32, #tpu.memory_space<hbm>> -> memref<128x128xf32, #tpu.memory_space<hbm>>
          %dma_wait3A_164 = arith.constant 0 : i32
          %dma_wait3A_165 = tpu.memref_slice %arg6[%add3A_158, %dma_wait3A_164] : memref<102400x128xf32, #tpu.memory_space<hbm>> -> memref<128x128xf32, #tpu.memory_space<hbm>>
          tpu.wait_dma2 semaphore(%run_scoped3A : memref<!tpu.dma_semaphore, #tpu.memory_space<semaphore_mem>>) src(%arg12 : memref<128x128xf32, #tpu.memory_space<vmem>>) dst(%dma_wait3A_165 : memref<128x128xf32, #tpu.memory_space<hbm>>)
          tpu.yield
        }) : () -> ()
      } else {
      }
      %add3A_144 = arith.constant 4 : i32
      %add3A_145 = arith.addi %add3A_139, %add3A_144 : i32
      %lt3A_146 = arith.cmpi slt, %add3A_145, %select_n3A : i32
      %convert_element_type3A_147 = arith.extui %lt3A_146 : i1 to i32
      %cond3A_148 = arith.constant 0 : i32
      %cond3A_149 = arith.cmpi ne, %convert_element_type3A_147, %cond3A_148 : i32
      scf.if %cond3A_149 {
        %add3A_151 = arith.constant 4 : i32
        %add3A_152 = arith.addi %add3A_139, %add3A_151 : i32
        %mul3A_153 = arith.constant 128 : i32
        %mul3A_154 = arith.muli %add3A_152, %mul3A_153 : i32
        %dma_start3A = tpu.memref_slice %arg8[%mul3A_154] : memref<6016xi32, #tpu.memory_space<vmem>> -> memref<128xi32, #tpu.memory_space<vmem>>
        %dma_start3A_155 = arith.constant 0 : i32
        %dma_start3A_156 = arith.constant 0 : i32
        %dma_start3A_157 = tpu.memref_slice %arg2[%dma_start3A_155, %dma_start3A_156] : memref<100000x128xf32, #tpu.memory_space<hbm>> -> memref<100000x128xf32, #tpu.memory_space<hbm>>
        tpu.enqueue_indirect_dma source(%dma_start3A_157 : memref<100000x128xf32, #tpu.memory_space<hbm>>) target(%arg12 : memref<128x128xf32, #tpu.memory_space<vmem>>) offsets(%dma_start3A : memref<128xi32, #tpu.memory_space<vmem>>) semaphore(%arg16 : memref<!tpu.dma_semaphore, #tpu.memory_space<semaphore_mem>>)
      } else {
      }
      %while3A_150 = arith.constant 0 : i32
      scf.yield %while3A_150 : i32
    }
    %while3A_91 = arith.constant 1 : i32
    %while3A_92 = scf.for %while3A_93 = %while3A_88 to %while3A_84 step %while3A_91 iter_args(%while3A_94 = %while3A_90) -> (i32)  : i32 {
      %mul3A_95 = arith.constant 4 : i32
      %mul3A_96 = arith.muli %while3A_93, %mul3A_95 : i32
      %add3A_97 = arith.constant 0 : i32
      %add3A_98 = arith.addi %mul3A_96, %add3A_97 : i32
      %lt3A = arith.cmpi slt, %add3A_98, %select_n3A : i32
      %convert_element_type3A_99 = arith.extui %lt3A : i1 to i32
      %cond3A_100 = arith.constant 0 : i32
      %cond3A_101 = arith.cmpi ne, %convert_element_type3A_99, %cond3A_100 : i32
      scf.if %cond3A_101 {
        %mul3A_151 = arith.constant 128 : i32
        %mul3A_152 = arith.muli %add3A_98, %mul3A_151 : i32
        %dma_wait3A = tpu.memref_slice %arg8[%mul3A_152] : memref<6016xi32, #tpu.memory_space<vmem>> -> memref<128xi32, #tpu.memory_space<vmem>>
        %dma_wait3A_153 = arith.constant 0 : i32
        %dma_wait3A_154 = arith.constant 0 : i32
        %dma_wait3A_155 = tpu.memref_slice %arg2[%dma_wait3A_153, %dma_wait3A_154] : memref<100000x128xf32, #tpu.memory_space<hbm>> -> memref<100000x128xf32, #tpu.memory_space<hbm>>
        tpu.wait_indirect_dma semaphore(%arg13 : memref<!tpu.dma_semaphore, #tpu.memory_space<semaphore_mem>>) src(%dma_wait3A_155 : memref<100000x128xf32, #tpu.memory_space<hbm>>) dst(%arg9 : memref<128x128xf32, #tpu.memory_space<vmem>>)
        %mul3A_156 = arith.constant 128 : i32
        %mul3A_157 = arith.muli %add3A_98, %mul3A_156 : i32
        %add3A_158 = arith.addi %mul3A_10, %mul3A_157 : i32
        "tpu.region"() ({
          %run_scoped3A = tpu.sem_alloc : memref<!tpu.dma_semaphore, #tpu.memory_space<semaphore_mem>>
          %dma_start3A = arith.constant 0 : i32
          %dma_start3A_159 = tpu.memref_slice %arg6[%add3A_158, %dma_start3A] : memref<102400x128xf32, #tpu.memory_space<hbm>> -> memref<128x128xf32, #tpu.memory_space<hbm>>
          %dma_start3A_160 = arith.constant 0 : i32
          %dma_start3A_161 = tpu.memref_slice %arg6[%add3A_158, %dma_start3A_160] : memref<102400x128xf32, #tpu.memory_space<hbm>> -> memref<128x128xf32, #tpu.memory_space<hbm>>
          tpu.enqueue_dma source(%arg9 : memref<128x128xf32, #tpu.memory_space<vmem>>) target(%dma_start3A_161 : memref<128x128xf32, #tpu.memory_space<hbm>>) target_semaphore(%run_scoped3A : memref<!tpu.dma_semaphore, #tpu.memory_space<semaphore_mem>>)
          %dma_wait3A_162 = arith.constant 0 : i32
          %dma_wait3A_163 = tpu.memref_slice %arg6[%add3A_158, %dma_wait3A_162] : memref<102400x128xf32, #tpu.memory_space<hbm>> -> memref<128x128xf32, #tpu.memory_space<hbm>>
          %dma_wait3A_164 = arith.constant 0 : i32
          %dma_wait3A_165 = tpu.memref_slice %arg6[%add3A_158, %dma_wait3A_164] : memref<102400x128xf32, #tpu.memory_space<hbm>> -> memref<128x128xf32, #tpu.memory_space<hbm>>
          tpu.wait_dma2 semaphore(%run_scoped3A : memref<!tpu.dma_semaphore, #tpu.memory_space<semaphore_mem>>) src(%arg9 : memref<128x128xf32, #tpu.memory_space<vmem>>) dst(%dma_wait3A_165 : memref<128x128xf32, #tpu.memory_space<hbm>>)
          tpu.yield
        }) : () -> ()
      } else {
      }
      %add3A_102 = arith.constant 4 : i32
      %add3A_103 = arith.addi %add3A_98, %add3A_102 : i32
      %lt3A_104 = arith.cmpi slt, %add3A_103, %select_n3A : i32
      %convert_element_type3A_105 = arith.extui %lt3A_104 : i1 to i32
      %cond3A_106 = arith.constant 0 : i32
      %cond3A_107 = arith.cmpi ne, %convert_element_type3A_105, %cond3A_106 : i32
      scf.if %cond3A_107 {
        %add3A_151 = arith.constant 4 : i32
        %add3A_152 = arith.addi %add3A_98, %add3A_151 : i32
        %mul3A_153 = arith.constant 128 : i32
        %mul3A_154 = arith.muli %add3A_152, %mul3A_153 : i32
        %dma_start3A = tpu.memref_slice %arg8[%mul3A_154] : memref<6016xi32, #tpu.memory_space<vmem>> -> memref<128xi32, #tpu.memory_space<vmem>>
        %dma_start3A_155 = arith.constant 0 : i32
        %dma_start3A_156 = arith.constant 0 : i32
        %dma_start3A_157 = tpu.memref_slice %arg2[%dma_start3A_155, %dma_start3A_156] : memref<100000x128xf32, #tpu.memory_space<hbm>> -> memref<100000x128xf32, #tpu.memory_space<hbm>>
        tpu.enqueue_indirect_dma source(%dma_start3A_157 : memref<100000x128xf32, #tpu.memory_space<hbm>>) target(%arg9 : memref<128x128xf32, #tpu.memory_space<vmem>>) offsets(%dma_start3A : memref<128xi32, #tpu.memory_space<vmem>>) semaphore(%arg13 : memref<!tpu.dma_semaphore, #tpu.memory_space<semaphore_mem>>)
      } else {
      }
      %mul3A_108 = arith.constant 4 : i32
      %mul3A_109 = arith.muli %while3A_93, %mul3A_108 : i32
      %add3A_110 = arith.constant 1 : i32
      %add3A_111 = arith.addi %mul3A_109, %add3A_110 : i32
      %lt3A_112 = arith.cmpi slt, %add3A_111, %select_n3A : i32
      %convert_element_type3A_113 = arith.extui %lt3A_112 : i1 to i32
      %cond3A_114 = arith.constant 0 : i32
      %cond3A_115 = arith.cmpi ne, %convert_element_type3A_113, %cond3A_114 : i32
      scf.if %cond3A_115 {
        %mul3A_151 = arith.constant 128 : i32
        %mul3A_152 = arith.muli %add3A_111, %mul3A_151 : i32
        %dma_wait3A = tpu.memref_slice %arg8[%mul3A_152] : memref<6016xi32, #tpu.memory_space<vmem>> -> memref<128xi32, #tpu.memory_space<vmem>>
        %dma_wait3A_153 = arith.constant 0 : i32
        %dma_wait3A_154 = arith.constant 0 : i32
        %dma_wait3A_155 = tpu.memref_slice %arg2[%dma_wait3A_153, %dma_wait3A_154] : memref<100000x128xf32, #tpu.memory_space<hbm>> -> memref<100000x128xf32, #tpu.memory_space<hbm>>
        tpu.wait_indirect_dma semaphore(%arg14 : memref<!tpu.dma_semaphore, #tpu.memory_space<semaphore_mem>>) src(%dma_wait3A_155 : memref<100000x128xf32, #tpu.memory_space<hbm>>) dst(%arg10 : memref<128x128xf32, #tpu.memory_space<vmem>>)
        %mul3A_156 = arith.constant 128 : i32
        %mul3A_157 = arith.muli %add3A_111, %mul3A_156 : i32
        %add3A_158 = arith.addi %mul3A_10, %mul3A_157 : i32
        "tpu.region"() ({
          %run_scoped3A = tpu.sem_alloc : memref<!tpu.dma_semaphore, #tpu.memory_space<semaphore_mem>>
          %dma_start3A = arith.constant 0 : i32
          %dma_start3A_159 = tpu.memref_slice %arg6[%add3A_158, %dma_start3A] : memref<102400x128xf32, #tpu.memory_space<hbm>> -> memref<128x128xf32, #tpu.memory_space<hbm>>
          %dma_start3A_160 = arith.constant 0 : i32
          %dma_start3A_161 = tpu.memref_slice %arg6[%add3A_158, %dma_start3A_160] : memref<102400x128xf32, #tpu.memory_space<hbm>> -> memref<128x128xf32, #tpu.memory_space<hbm>>
          tpu.enqueue_dma source(%arg10 : memref<128x128xf32, #tpu.memory_space<vmem>>) target(%dma_start3A_161 : memref<128x128xf32, #tpu.memory_space<hbm>>) target_semaphore(%run_scoped3A : memref<!tpu.dma_semaphore, #tpu.memory_space<semaphore_mem>>)
          %dma_wait3A_162 = arith.constant 0 : i32
          %dma_wait3A_163 = tpu.memref_slice %arg6[%add3A_158, %dma_wait3A_162] : memref<102400x128xf32, #tpu.memory_space<hbm>> -> memref<128x128xf32, #tpu.memory_space<hbm>>
          %dma_wait3A_164 = arith.constant 0 : i32
          %dma_wait3A_165 = tpu.memref_slice %arg6[%add3A_158, %dma_wait3A_164] : memref<102400x128xf32, #tpu.memory_space<hbm>> -> memref<128x128xf32, #tpu.memory_space<hbm>>
          tpu.wait_dma2 semaphore(%run_scoped3A : memref<!tpu.dma_semaphore, #tpu.memory_space<semaphore_mem>>) src(%arg10 : memref<128x128xf32, #tpu.memory_space<vmem>>) dst(%dma_wait3A_165 : memref<128x128xf32, #tpu.memory_space<hbm>>)
          tpu.yield
        }) : () -> ()
      } else {
      }
      %add3A_116 = arith.constant 4 : i32
      %add3A_117 = arith.addi %add3A_111, %add3A_116 : i32
      %lt3A_118 = arith.cmpi slt, %add3A_117, %select_n3A : i32
      %convert_element_type3A_119 = arith.extui %lt3A_118 : i1 to i32
      %cond3A_120 = arith.constant 0 : i32
      %cond3A_121 = arith.cmpi ne, %convert_element_type3A_119, %cond3A_120 : i32
      scf.if %cond3A_121 {
        %add3A_151 = arith.constant 4 : i32
        %add3A_152 = arith.addi %add3A_111, %add3A_151 : i32
        %mul3A_153 = arith.constant 128 : i32
        %mul3A_154 = arith.muli %add3A_152, %mul3A_153 : i32
        %dma_start3A = tpu.memref_slice %arg8[%mul3A_154] : memref<6016xi32, #tpu.memory_space<vmem>> -> memref<128xi32, #tpu.memory_space<vmem>>
        %dma_start3A_155 = arith.constant 0 : i32
        %dma_start3A_156 = arith.constant 0 : i32
        %dma_start3A_157 = tpu.memref_slice %arg2[%dma_start3A_155, %dma_start3A_156] : memref<100000x128xf32, #tpu.memory_space<hbm>> -> memref<100000x128xf32, #tpu.memory_space<hbm>>
        tpu.enqueue_indirect_dma source(%dma_start3A_157 : memref<100000x128xf32, #tpu.memory_space<hbm>>) target(%arg10 : memref<128x128xf32, #tpu.memory_space<vmem>>) offsets(%dma_start3A : memref<128xi32, #tpu.memory_space<vmem>>) semaphore(%arg14 : memref<!tpu.dma_semaphore, #tpu.memory_space<semaphore_mem>>)
      } else {
      }
      %mul3A_122 = arith.constant 4 : i32
      %mul3A_123 = arith.muli %while3A_93, %mul3A_122 : i32
      %add3A_124 = arith.constant 2 : i32
      %add3A_125 = arith.addi %mul3A_123, %add3A_124 : i32
      %lt3A_126 = arith.cmpi slt, %add3A_125, %select_n3A : i32
      %convert_element_type3A_127 = arith.extui %lt3A_126 : i1 to i32
      %cond3A_128 = arith.constant 0 : i32
      %cond3A_129 = arith.cmpi ne, %convert_element_type3A_127, %cond3A_128 : i32
      scf.if %cond3A_129 {
        %mul3A_151 = arith.constant 128 : i32
        %mul3A_152 = arith.muli %add3A_125, %mul3A_151 : i32
        %dma_wait3A = tpu.memref_slice %arg8[%mul3A_152] : memref<6016xi32, #tpu.memory_space<vmem>> -> memref<128xi32, #tpu.memory_space<vmem>>
        %dma_wait3A_153 = arith.constant 0 : i32
        %dma_wait3A_154 = arith.constant 0 : i32
        %dma_wait3A_155 = tpu.memref_slice %arg2[%dma_wait3A_153, %dma_wait3A_154] : memref<100000x128xf32, #tpu.memory_space<hbm>> -> memref<100000x128xf32, #tpu.memory_space<hbm>>
        tpu.wait_indirect_dma semaphore(%arg15 : memref<!tpu.dma_semaphore, #tpu.memory_space<semaphore_mem>>) src(%dma_wait3A_155 : memref<100000x128xf32, #tpu.memory_space<hbm>>) dst(%arg11 : memref<128x128xf32, #tpu.memory_space<vmem>>)
        %mul3A_156 = arith.constant 128 : i32
        %mul3A_157 = arith.muli %add3A_125, %mul3A_156 : i32
        %add3A_158 = arith.addi %mul3A_10, %mul3A_157 : i32
        "tpu.region"() ({
          %run_scoped3A = tpu.sem_alloc : memref<!tpu.dma_semaphore, #tpu.memory_space<semaphore_mem>>
          %dma_start3A = arith.constant 0 : i32
          %dma_start3A_159 = tpu.memref_slice %arg6[%add3A_158, %dma_start3A] : memref<102400x128xf32, #tpu.memory_space<hbm>> -> memref<128x128xf32, #tpu.memory_space<hbm>>
          %dma_start3A_160 = arith.constant 0 : i32
          %dma_start3A_161 = tpu.memref_slice %arg6[%add3A_158, %dma_start3A_160] : memref<102400x128xf32, #tpu.memory_space<hbm>> -> memref<128x128xf32, #tpu.memory_space<hbm>>
          tpu.enqueue_dma source(%arg11 : memref<128x128xf32, #tpu.memory_space<vmem>>) target(%dma_start3A_161 : memref<128x128xf32, #tpu.memory_space<hbm>>) target_semaphore(%run_scoped3A : memref<!tpu.dma_semaphore, #tpu.memory_space<semaphore_mem>>)
          %dma_wait3A_162 = arith.constant 0 : i32
          %dma_wait3A_163 = tpu.memref_slice %arg6[%add3A_158, %dma_wait3A_162] : memref<102400x128xf32, #tpu.memory_space<hbm>> -> memref<128x128xf32, #tpu.memory_space<hbm>>
          %dma_wait3A_164 = arith.constant 0 : i32
          %dma_wait3A_165 = tpu.memref_slice %arg6[%add3A_158, %dma_wait3A_164] : memref<102400x128xf32, #tpu.memory_space<hbm>> -> memref<128x128xf32, #tpu.memory_space<hbm>>
          tpu.wait_dma2 semaphore(%run_scoped3A : memref<!tpu.dma_semaphore, #tpu.memory_space<semaphore_mem>>) src(%arg11 : memref<128x128xf32, #tpu.memory_space<vmem>>) dst(%dma_wait3A_165 : memref<128x128xf32, #tpu.memory_space<hbm>>)
          tpu.yield
        }) : () -> ()
      } else {
      }
      %add3A_130 = arith.constant 4 : i32
      %add3A_131 = arith.addi %add3A_125, %add3A_130 : i32
      %lt3A_132 = arith.cmpi slt, %add3A_131, %select_n3A : i32
      %convert_element_type3A_133 = arith.extui %lt3A_132 : i1 to i32
      %cond3A_134 = arith.constant 0 : i32
      %cond3A_135 = arith.cmpi ne, %convert_element_type3A_133, %cond3A_134 : i32
      scf.if %cond3A_135 {
        %add3A_151 = arith.constant 4 : i32
        %add3A_152 = arith.addi %add3A_125, %add3A_151 : i32
        %mul3A_153 = arith.constant 128 : i32
        %mul3A_154 = arith.muli %add3A_152, %mul3A_153 : i32
        %dma_start3A = tpu.memref_slice %arg8[%mul3A_154] : memref<6016xi32, #tpu.memory_space<vmem>> -> memref<128xi32, #tpu.memory_space<vmem>>
        %dma_start3A_155 = arith.constant 0 : i32
        %dma_start3A_156 = arith.constant 0 : i32
        %dma_start3A_157 = tpu.memref_slice %arg2[%dma_start3A_155, %dma_start3A_156] : memref<100000x128xf32, #tpu.memory_space<hbm>> -> memref<100000x128xf32, #tpu.memory_space<hbm>>
        tpu.enqueue_indirect_dma source(%dma_start3A_157 : memref<100000x128xf32, #tpu.memory_space<hbm>>) target(%arg11 : memref<128x128xf32, #tpu.memory_space<vmem>>) offsets(%dma_start3A : memref<128xi32, #tpu.memory_space<vmem>>) semaphore(%arg15 : memref<!tpu.dma_semaphore, #tpu.memory_space<semaphore_mem>>)
      } else {
      }
      %mul3A_136 = arith.constant 4 : i32
      %mul3A_137 = arith.muli %while3A_93, %mul3A_136 : i32
      %add3A_138 = arith.constant 3 : i32
      %add3A_139 = arith.addi %mul3A_137, %add3A_138 : i32
      %lt3A_140 = arith.cmpi slt, %add3A_139, %select_n3A : i32
      %convert_element_type3A_141 = arith.extui %lt3A_140 : i1 to i32
      %cond3A_142 = arith.constant 0 : i32
      %cond3A_143 = arith.cmpi ne, %convert_element_type3A_141, %cond3A_142 : i32
      scf.if %cond3A_143 {
        %mul3A_151 = arith.constant 128 : i32
        %mul3A_152 = arith.muli %add3A_139, %mul3A_151 : i32
        %dma_wait3A = tpu.memref_slice %arg8[%mul3A_152] : memref<6016xi32, #tpu.memory_space<vmem>> -> memref<128xi32, #tpu.memory_space<vmem>>
        %dma_wait3A_153 = arith.constant 0 : i32
        %dma_wait3A_154 = arith.constant 0 : i32
        %dma_wait3A_155 = tpu.memref_slice %arg2[%dma_wait3A_153, %dma_wait3A_154] : memref<100000x128xf32, #tpu.memory_space<hbm>> -> memref<100000x128xf32, #tpu.memory_space<hbm>>
        tpu.wait_indirect_dma semaphore(%arg16 : memref<!tpu.dma_semaphore, #tpu.memory_space<semaphore_mem>>) src(%dma_wait3A_155 : memref<100000x128xf32, #tpu.memory_space<hbm>>) dst(%arg12 : memref<128x128xf32, #tpu.memory_space<vmem>>)
        %mul3A_156 = arith.constant 128 : i32
        %mul3A_157 = arith.muli %add3A_139, %mul3A_156 : i32
        %add3A_158 = arith.addi %mul3A_10, %mul3A_157 : i32
        "tpu.region"() ({
          %run_scoped3A = tpu.sem_alloc : memref<!tpu.dma_semaphore, #tpu.memory_space<semaphore_mem>>
          %dma_start3A = arith.constant 0 : i32
          %dma_start3A_159 = tpu.memref_slice %arg6[%add3A_158, %dma_start3A] : memref<102400x128xf32, #tpu.memory_space<hbm>> -> memref<128x128xf32, #tpu.memory_space<hbm>>
          %dma_start3A_160 = arith.constant 0 : i32
          %dma_start3A_161 = tpu.memref_slice %arg6[%add3A_158, %dma_start3A_160] : memref<102400x128xf32, #tpu.memory_space<hbm>> -> memref<128x128xf32, #tpu.memory_space<hbm>>
          tpu.enqueue_dma source(%arg12 : memref<128x128xf32, #tpu.memory_space<vmem>>) target(%dma_start3A_161 : memref<128x128xf32, #tpu.memory_space<hbm>>) target_semaphore(%run_scoped3A : memref<!tpu.dma_semaphore, #tpu.memory_space<semaphore_mem>>)
          %dma_wait3A_162 = arith.constant 0 : i32
          %dma_wait3A_163 = tpu.memref_slice %arg6[%add3A_158, %dma_wait3A_162] : memref<102400x128xf32, #tpu.memory_space<hbm>> -> memref<128x128xf32, #tpu.memory_space<hbm>>
          %dma_wait3A_164 = arith.constant 0 : i32
          %dma_wait3A_165 = tpu.memref_slice %arg6[%add3A_158, %dma_wait3A_164] : memref<102400x128xf32, #tpu.memory_space<hbm>> -> memref<128x128xf32, #tpu.memory_space<hbm>>
          tpu.wait_dma2 semaphore(%run_scoped3A : memref<!tpu.dma_semaphore, #tpu.memory_space<semaphore_mem>>) src(%arg12 : memref<128x128xf32, #tpu.memory_space<vmem>>) dst(%dma_wait3A_165 : memref<128x128xf32, #tpu.memory_space<hbm>>)
          tpu.yield
        }) : () -> ()
      } else {
      }
      %add3A_144 = arith.constant 4 : i32
      %add3A_145 = arith.addi %add3A_139, %add3A_144 : i32
      %lt3A_146 = arith.cmpi slt, %add3A_145, %select_n3A : i32
      %convert_element_type3A_147 = arith.extui %lt3A_146 : i1 to i32
      %cond3A_148 = arith.constant 0 : i32
      %cond3A_149 = arith.cmpi ne, %convert_element_type3A_147, %cond3A_148 : i32
      scf.if %cond3A_149 {
        %add3A_151 = arith.constant 4 : i32
        %add3A_152 = arith.addi %add3A_139, %add3A_151 : i32
        %mul3A_153 = arith.constant 128 : i32
        %mul3A_154 = arith.muli %add3A_152, %mul3A_153 : i32
        %dma_start3A = tpu.memref_slice %arg8[%mul3A_154] : memref<6016xi32, #tpu.memory_space<vmem>> -> memref<128xi32, #tpu.memory_space<vmem>>
        %dma_start3A_155 = arith.constant 0 : i32
        %dma_start3A_156 = arith.constant 0 : i32
        %dma_start3A_157 = tpu.memref_slice %arg2[%dma_start3A_155, %dma_start3A_156] : memref<100000x128xf32, #tpu.memory_space<hbm>> -> memref<100000x128xf32, #tpu.memory_space<hbm>>
        tpu.enqueue_indirect_dma source(%dma_start3A_157 : memref<100000x128xf32, #tpu.memory_space<hbm>>) target(%arg12 : memref<128x128xf32, #tpu.memory_space<vmem>>) offsets(%dma_start3A : memref<128xi32, #tpu.memory_space<vmem>>) semaphore(%arg16 : memref<!tpu.dma_semaphore, #tpu.memory_space<semaphore_mem>>)
      } else {
      }
      %while3A_150 = arith.constant 0 : i32
      scf.yield %while3A_150 : i32
    }
    return
  }
}

module attributes {stable_mosaic.version = 14 : i64} {
  func.func @_tc_body(%arg0: i32, %arg1: memref<2000x128xf32, #tpu.memory_space<vmem>>, %arg2: memref<2000x128xf32, #tpu.memory_space<vmem>>, %arg3: memref<2000x384xf32, #tpu.memory_space<vmem>>, %arg4: memref<256x640xbf16, #tpu.memory_space<vmem>>, %arg5: memref<1x256xf32, #tpu.memory_space<vmem>>, %arg6: memref<1x384xf32, #tpu.memory_space<vmem>>, %arg7: memref<1x1xf32, #tpu.memory_space<smem>>, %arg8: memref<1x1xf32, #tpu.memory_space<smem>>, %arg9: memref<2000x128xf32, #tpu.memory_space<vmem>>, %arg10: memref<2000x128xf32, #tpu.memory_space<vmem>>) attributes {dimension_semantics = [#tpu.dimension_semantics<arbitrary>], iteration_bounds = array<i64: 50>, scalar_prefetch = 0 : i64, scratch_operands = 0 : i64, tpu.core_type = #tpu.core_type<tc>, window_params = [{transform_indices = @transform_0, window_bounds = array<i64: 2000, 128>}, {transform_indices = @transform_1, window_bounds = array<i64: 2000, 128>}, {transform_indices = @transform_2, window_bounds = array<i64: 2000, 384>}, {pipeline_mode = #tpu.pipeline_mode<synchronous>, transform_indices = @transform_3, window_bounds = array<i64: 256, 640>}, {pipeline_mode = #tpu.pipeline_mode<synchronous>, transform_indices = @transform_4, window_bounds = array<i64: 1, 256>}, {pipeline_mode = #tpu.pipeline_mode<synchronous>, transform_indices = @transform_5, window_bounds = array<i64: 1, 384>}, {transform_indices = @transform_6, window_bounds = array<i64: 1, 1>}, {transform_indices = @transform_7, window_bounds = array<i64: 1, 1>}, {transform_indices = @transform_8, window_bounds = array<i64: 2000, 128>}, {transform_indices = @transform_9, window_bounds = array<i64: 2000, 128>}]} {
    %get3A = arith.constant 0 : index
    %get3A_0 = arith.constant 0 : index
    %get3A_1 = vector.load %arg1[%get3A, %get3A_0] : memref<2000x128xf32, #tpu.memory_space<vmem>>, vector<2000x128xf32>
    %bitcast_convert_type3A = tpu.bitcast %get3A_1 : vector<2000x128xf32> -> vector<2000x128xi32>
    %and3A = arith.constant -65536 : i32
    %and3A_2 = vector.broadcast %and3A : i32 to vector<2000x128xi32>
    %and3A_3 = arith.andi %bitcast_convert_type3A, %and3A_2 : vector<2000x128xi32>
    %bitcast_convert_type3A_4 = tpu.bitcast %and3A_3 : vector<2000x128xi32> -> vector<2000x128xf32>
    %shift_left3A = arith.constant 16 : i32
    %shift_left3A_5 = vector.broadcast %shift_left3A : i32 to vector<2000x128xi32>
    %shift_left3A_6 = arith.shli %bitcast_convert_type3A, %shift_left3A_5 : vector<2000x128xi32>
    %bitcast_convert_type3A_7 = tpu.bitcast %shift_left3A_6 : vector<2000x128xi32> -> vector<2000x128xf32>
    %get3A_8 = arith.constant 0 : index
    %get3A_9 = arith.constant 0 : index
    %get3A_10 = vector.load %arg2[%get3A_8, %get3A_9] : memref<2000x128xf32, #tpu.memory_space<vmem>>, vector<2000x128xf32>
    %bitcast_convert_type3A_11 = tpu.bitcast %get3A_10 : vector<2000x128xf32> -> vector<2000x128xi32>
    %and3A_12 = arith.constant -65536 : i32
    %and3A_13 = vector.broadcast %and3A_12 : i32 to vector<2000x128xi32>
    %and3A_14 = arith.andi %bitcast_convert_type3A_11, %and3A_13 : vector<2000x128xi32>
    %bitcast_convert_type3A_15 = tpu.bitcast %and3A_14 : vector<2000x128xi32> -> vector<2000x128xf32>
    %shift_left3A_16 = arith.constant 16 : i32
    %shift_left3A_17 = vector.broadcast %shift_left3A_16 : i32 to vector<2000x128xi32>
    %shift_left3A_18 = arith.shli %bitcast_convert_type3A_11, %shift_left3A_17 : vector<2000x128xi32>
    %bitcast_convert_type3A_19 = tpu.bitcast %shift_left3A_18 : vector<2000x128xi32> -> vector<2000x128xf32>
    %get3A_20 = arith.constant 0 : index
    %get3A_21 = arith.constant 0 : index
    %get3A_22 = vector.load %arg4[%get3A_20, %get3A_21] : memref<256x640xbf16, #tpu.memory_space<vmem>>, vector<256x640xbf16>
    %convert_element_type3A = arith.truncf %bitcast_convert_type3A_4 : vector<2000x128xf32> to vector<2000x128xbf16>
    %convert_element_type3A_23 = arith.truncf %bitcast_convert_type3A_15 : vector<2000x128xf32> to vector<2000x128xbf16>
    %slice3A = vector.extract_strided_slice %get3A_22 {offsets = [0, 0], sizes = [128, 640], strides = [1, 1]} : vector<256x640xbf16> to vector<128x640xbf16>
    %dot_general3A = arith.constant dense<0.000000e+00> : vector<2000x640xf32>
    %dot_general3A_24 = tpu.matmul %convert_element_type3A, %slice3A, %dot_general3A {dimension_numbers = #tpu.dot_dimension_numbers<[1], [0], [0], [1], [0, 0, 1, 1], [], []>, transpose_lhs_hint = false} : vector<2000x128xbf16>, vector<128x640xbf16>, vector<2000x640xf32> -> vector<2000x640xf32>
    %slice3A_25 = vector.extract_strided_slice %get3A_22 {offsets = [128, 0], sizes = [128, 640], strides = [1, 1]} : vector<256x640xbf16> to vector<128x640xbf16>
    %dot_general3A_26 = arith.constant dense<0.000000e+00> : vector<2000x640xf32>
    %dot_general3A_27 = tpu.matmul %convert_element_type3A_23, %slice3A_25, %dot_general3A_26 {dimension_numbers = #tpu.dot_dimension_numbers<[1], [0], [0], [1], [0, 0, 1, 1], [], []>, transpose_lhs_hint = false} : vector<2000x128xbf16>, vector<128x640xbf16>, vector<2000x640xf32> -> vector<2000x640xf32>
    %add3A = arith.addf %dot_general3A_24, %dot_general3A_27 : vector<2000x640xf32>
    %get3A_28 = arith.constant 0 : index
    %get3A_29 = arith.constant 0 : index
    %get3A_30 = vector.load %arg5[%get3A_28, %get3A_29] : memref<1x256xf32, #tpu.memory_space<vmem>>, vector<1x256xf32>
    %slice3A_31 = vector.extract_strided_slice %add3A {offsets = [0, 0], sizes = [2000, 128], strides = [1, 1]} : vector<2000x640xf32> to vector<2000x128xf32>
    %slice3A_32 = vector.extract_strided_slice %get3A_30 {offsets = [0, 0], sizes = [1, 128], strides = [1, 1]} : vector<1x256xf32> to vector<1x128xf32>
    %add3A_33 = vector.broadcast %slice3A_32 : vector<1x128xf32> to vector<2000x128xf32>
    %add3A_34 = arith.addf %slice3A_31, %add3A_33 : vector<2000x128xf32>
    %logistic3A = arith.negf %add3A_34 : vector<2000x128xf32>
    %logistic3A_35 = math.exp %logistic3A : vector<2000x128xf32>
    %logistic3A_36 = arith.constant 1.000000e+00 : f32
    %logistic3A_37 = vector.broadcast %logistic3A_36 : f32 to vector<2000x128xf32>
    %logistic3A_38 = arith.addf %logistic3A_37, %logistic3A_35 : vector<2000x128xf32>
    %logistic3A_39 = arith.divf %logistic3A_37, %logistic3A_38 : vector<2000x128xf32>
    %slice3A_40 = vector.extract_strided_slice %add3A {offsets = [0, 128], sizes = [2000, 128], strides = [1, 1]} : vector<2000x640xf32> to vector<2000x128xf32>
    %slice3A_41 = vector.extract_strided_slice %get3A_30 {offsets = [0, 128], sizes = [1, 128], strides = [1, 1]} : vector<1x256xf32> to vector<1x128xf32>
    %add3A_42 = vector.broadcast %slice3A_41 : vector<1x128xf32> to vector<2000x128xf32>
    %add3A_43 = arith.addf %slice3A_40, %add3A_42 : vector<2000x128xf32>
    %logistic3A_44 = arith.negf %add3A_43 : vector<2000x128xf32>
    %logistic3A_45 = math.exp %logistic3A_44 : vector<2000x128xf32>
    %logistic3A_46 = arith.constant 1.000000e+00 : f32
    %logistic3A_47 = vector.broadcast %logistic3A_46 : f32 to vector<2000x128xf32>
    %logistic3A_48 = arith.addf %logistic3A_47, %logistic3A_45 : vector<2000x128xf32>
    %logistic3A_49 = arith.divf %logistic3A_47, %logistic3A_48 : vector<2000x128xf32>
    %mul3A = arith.mulf %logistic3A_39, %bitcast_convert_type3A_7 : vector<2000x128xf32>
    %mul3A_50 = arith.mulf %logistic3A_49, %bitcast_convert_type3A_19 : vector<2000x128xf32>
    %add3A_51 = arith.addf %mul3A, %mul3A_50 : vector<2000x128xf32>
    %mul3A_52 = arith.mulf %bitcast_convert_type3A_4, %bitcast_convert_type3A_4 : vector<2000x128xf32>
    %mul3A_53 = arith.mulf %bitcast_convert_type3A_15, %bitcast_convert_type3A_15 : vector<2000x128xf32>
    %add3A_54 = arith.addf %mul3A_52, %mul3A_53 : vector<2000x128xf32>
    %reduce_sum3A = arith.constant dense<0.000000e+00> : vector<2000xf32>
    %reduce_sum3A_55 = vector.multi_reduction <add>, %add3A_54, %reduce_sum3A [1] : vector<2000x128xf32> to vector<2000xf32>
    %broadcast_in_dim3A = vector.shape_cast %reduce_sum3A_55 : vector<2000xf32> to vector<2000x1xf32>
    %sqrt3A = math.sqrt %broadcast_in_dim3A : vector<2000x1xf32>
    %get3A_56 = arith.constant 0 : index
    %get3A_57 = arith.constant 0 : index
    %get3A_58 = vector.load %arg3[%get3A_56, %get3A_57] : memref<2000x384xf32, #tpu.memory_space<vmem>>, vector<2000x384xf32>
    %mul3A_59 = arith.mulf %get3A_58, %get3A_58 : vector<2000x384xf32>
    %reduce_sum3A_60 = arith.constant dense<0.000000e+00> : vector<2000xf32>
    %reduce_sum3A_61 = vector.multi_reduction <add>, %mul3A_59, %reduce_sum3A_60 [1] : vector<2000x384xf32> to vector<2000xf32>
    %broadcast_in_dim3A_62 = vector.shape_cast %reduce_sum3A_61 : vector<2000xf32> to vector<2000x1xf32>
    %sqrt3A_63 = math.sqrt %broadcast_in_dim3A_62 : vector<2000x1xf32>
    %get3A_64 = arith.constant 0 : index
    %get3A_65 = arith.constant 0 : index
    %get3A_66 = memref.load %arg7[%get3A_64, %get3A_65] : memref<1x1xf32, #tpu.memory_space<smem>>
    %mul3A_67 = vector.broadcast %get3A_66 : f32 to vector<2000x1xf32>
    %mul3A_68 = arith.mulf %sqrt3A_63, %mul3A_67 : vector<2000x1xf32>
    %max3A = arith.constant 9.99999996E-13 : f32
    %max3A_69 = vector.broadcast %max3A : f32 to vector<2000x1xf32>
    %max3A_70 = arith.maximumf %sqrt3A, %max3A_69 : vector<2000x1xf32>
    %div3A = arith.divf %mul3A_68, %max3A_70 : vector<2000x1xf32>
    %slice3A_71 = vector.extract_strided_slice %add3A {offsets = [0, 256], sizes = [2000, 384], strides = [1, 1]} : vector<2000x640xf32> to vector<2000x384xf32>
    %mul3A_72 = vector.broadcast %div3A : vector<2000x1xf32> to vector<2000x384xf32>
    %mul3A_73 = arith.mulf %slice3A_71, %mul3A_72 : vector<2000x384xf32>
    %get3A_74 = arith.constant 0 : index
    %get3A_75 = arith.constant 0 : index
    %get3A_76 = vector.load %arg6[%get3A_74, %get3A_75] : memref<1x384xf32, #tpu.memory_space<vmem>>, vector<1x384xf32>
    %add3A_77 = vector.broadcast %get3A_76 : vector<1x384xf32> to vector<2000x384xf32>
    %add3A_78 = arith.addf %mul3A_73, %add3A_77 : vector<2000x384xf32>
    %mul3A_79 = arith.mulf %bitcast_convert_type3A_7, %bitcast_convert_type3A_7 : vector<2000x128xf32>
    %reduce_sum3A_80 = arith.constant dense<0.000000e+00> : vector<2000xf32>
    %reduce_sum3A_81 = vector.multi_reduction <add>, %mul3A_79, %reduce_sum3A_80 [1] : vector<2000x128xf32> to vector<2000xf32>
    %broadcast_in_dim3A_82 = vector.shape_cast %reduce_sum3A_81 : vector<2000xf32> to vector<2000x1xf32>
    %sqrt3A_83 = math.sqrt %broadcast_in_dim3A_82 : vector<2000x1xf32>
    %mul3A_84 = arith.mulf %add3A_51, %add3A_51 : vector<2000x128xf32>
    %reduce_sum3A_85 = arith.constant dense<0.000000e+00> : vector<2000xf32>
    %reduce_sum3A_86 = vector.multi_reduction <add>, %mul3A_84, %reduce_sum3A_85 [1] : vector<2000x128xf32> to vector<2000xf32>
    %broadcast_in_dim3A_87 = vector.shape_cast %reduce_sum3A_86 : vector<2000xf32> to vector<2000x1xf32>
    %sqrt3A_88 = math.sqrt %broadcast_in_dim3A_87 : vector<2000x1xf32>
    %max3A_89 = arith.constant 9.99999996E-13 : f32
    %max3A_90 = vector.broadcast %max3A_89 : f32 to vector<2000x1xf32>
    %max3A_91 = arith.maximumf %sqrt3A_88, %max3A_90 : vector<2000x1xf32>
    %get3A_92 = arith.constant 0 : index
    %get3A_93 = arith.constant 0 : index
    %get3A_94 = memref.load %arg8[%get3A_92, %get3A_93] : memref<1x1xf32, #tpu.memory_space<smem>>
    %mul3A_95 = vector.broadcast %get3A_94 : f32 to vector<2000x1xf32>
    %mul3A_96 = arith.mulf %sqrt3A_83, %mul3A_95 : vector<2000x1xf32>
    %div3A_97 = arith.divf %mul3A_96, %max3A_91 : vector<2000x1xf32>
    %mul3A_98 = vector.broadcast %div3A_97 : vector<2000x1xf32> to vector<2000x128xf32>
    %mul3A_99 = arith.mulf %add3A_51, %mul3A_98 : vector<2000x128xf32>
    %slice3A_100 = vector.extract_strided_slice %add3A_78 {offsets = [0, 0], sizes = [2000, 128], strides = [1, 1]} : vector<2000x384xf32> to vector<2000x128xf32>
    %logistic3A_101 = arith.negf %slice3A_100 : vector<2000x128xf32>
    %logistic3A_102 = math.exp %logistic3A_101 : vector<2000x128xf32>
    %logistic3A_103 = arith.constant 1.000000e+00 : f32
    %logistic3A_104 = vector.broadcast %logistic3A_103 : f32 to vector<2000x128xf32>
    %logistic3A_105 = arith.addf %logistic3A_104, %logistic3A_102 : vector<2000x128xf32>
    %logistic3A_106 = arith.divf %logistic3A_104, %logistic3A_105 : vector<2000x128xf32>
    %slice3A_107 = vector.extract_strided_slice %add3A_78 {offsets = [0, 128], sizes = [2000, 128], strides = [1, 1]} : vector<2000x384xf32> to vector<2000x128xf32>
    %logistic3A_108 = arith.negf %slice3A_107 : vector<2000x128xf32>
    %logistic3A_109 = math.exp %logistic3A_108 : vector<2000x128xf32>
    %logistic3A_110 = arith.constant 1.000000e+00 : f32
    %logistic3A_111 = vector.broadcast %logistic3A_110 : f32 to vector<2000x128xf32>
    %logistic3A_112 = arith.addf %logistic3A_111, %logistic3A_109 : vector<2000x128xf32>
    %logistic3A_113 = arith.divf %logistic3A_111, %logistic3A_112 : vector<2000x128xf32>
    %slice3A_114 = vector.extract_strided_slice %add3A_78 {offsets = [0, 256], sizes = [2000, 128], strides = [1, 1]} : vector<2000x384xf32> to vector<2000x128xf32>
    %tanh3A = math.tanh %slice3A_114 : vector<2000x128xf32>
    %mul3A_115 = arith.mulf %logistic3A_106, %tanh3A : vector<2000x128xf32>
    %add3A_116 = arith.addf %mul3A_115, %mul3A_99 : vector<2000x128xf32>
    %swap3A = arith.constant 0 : index
    %swap3A_117 = arith.constant 0 : index
    %swap3A_118 = vector.load %arg10[%swap3A, %swap3A_117] : memref<2000x128xf32, #tpu.memory_space<vmem>>, vector<2000x128xf32>
    tpu.vector_store %arg10[%swap3A, %swap3A_117], %add3A_116 {strides = array<i32>} : memref<2000x128xf32, #tpu.memory_space<vmem>>, vector<2000x128xf32>,
    %tanh3A_119 = math.tanh %add3A_116 : vector<2000x128xf32>
    %mul3A_120 = arith.mulf %logistic3A_113, %tanh3A_119 : vector<2000x128xf32>
    %swap3A_121 = arith.constant 0 : index
    %swap3A_122 = arith.constant 0 : index
    %swap3A_123 = vector.load %arg9[%swap3A_121, %swap3A_122] : memref<2000x128xf32, #tpu.memory_space<vmem>>, vector<2000x128xf32>
    tpu.vector_store %arg9[%swap3A_121, %swap3A_122], %mul3A_120 {strides = array<i32>} : memref<2000x128xf32, #tpu.memory_space<vmem>>, vector<2000x128xf32>,
    return
  }
  func.func @transform_0(%arg0: i32) -> (i32, i32) {
    %c0_i32 = arith.constant 0 : i32
    %c0_i32_0 = arith.constant 0 : i32
    return %arg0, %c0_i32 : i32, i32
  }
  func.func @transform_1(%arg0: i32) -> (i32, i32) {
    %c0_i32 = arith.constant 0 : i32
    %c0_i32_0 = arith.constant 0 : i32
    return %arg0, %c0_i32 : i32, i32
  }
  func.func @transform_2(%arg0: i32) -> (i32, i32) {
    %c0_i32 = arith.constant 0 : i32
    %c0_i32_0 = arith.constant 0 : i32
    return %arg0, %c0_i32 : i32, i32
  }
  func.func @transform_3(%arg0: i32) -> (i32, i32) {
    %c0_i32 = arith.constant 0 : i32
    %c0_i32_0 = arith.constant 0 : i32
    %c0_i32_1 = arith.constant 0 : i32
    return %c0_i32, %c0_i32_0 : i32, i32
  }
  func.func @transform_4(%arg0: i32) -> (i32, i32) {
    %c0_i32 = arith.constant 0 : i32
    %c0_i32_0 = arith.constant 0 : i32
    %c0_i32_1 = arith.constant 0 : i32
    return %c0_i32, %c0_i32_0 : i32, i32
  }
  func.func @transform_5(%arg0: i32) -> (i32, i32) {
    %c0_i32 = arith.constant 0 : i32
    %c0_i32_0 = arith.constant 0 : i32
    %c0_i32_1 = arith.constant 0 : i32
    return %c0_i32, %c0_i32_0 : i32, i32
  }
  func.func @transform_6(%arg0: i32) -> (i32, i32) {
    %c0_i32 = arith.constant 0 : i32
    %c0_i32_0 = arith.constant 0 : i32
    %c0_i32_1 = arith.constant 0 : i32
    return %c0_i32, %c0_i32_0 : i32, i32
  }
  func.func @transform_7(%arg0: i32) -> (i32, i32) {
    %c0_i32 = arith.constant 0 : i32
    %c0_i32_0 = arith.constant 0 : i32
    %c0_i32_1 = arith.constant 0 : i32
    return %c0_i32, %c0_i32_0 : i32, i32
  }
  func.func @transform_8(%arg0: i32) -> (i32, i32) {
    %c0_i32 = arith.constant 0 : i32
    %c0_i32_0 = arith.constant 0 : i32
    return %arg0, %c0_i32 : i32, i32
  }
  func.func @transform_9(%arg0: i32) -> (i32, i32) {
    %c0_i32 = arith.constant 0 : i32
    %c0_i32_0 = arith.constant 0 : i32
    return %arg0, %c0_i32 : i32, i32
  }
}

</mosaic_0001>

<sc_bundles>
// kernel: kernel.4.cloned.1.call-start
scs
__scs_entry_jumppad:
0x0: {  	(pc) =	sbr.rel $0x88, $3  }
0x1: {  	(tag) =	ssettag $0x0;
	lr =	simm.s32 $0x1  }
0x2: {  	[smem:$0x3F97] =	sst lr;
	_ =	strace $0xD0000000  }
0x3: {  	_ = 	snop  }
0x4: {  	_ = 	snop  }
0x5: {  	_ = 	snop  }
0x6: {  	_ = 	snop  }
0x7: {  	_ = 	snop  }
__scs_overlays_trampoline_lowered:
0x8: {  	[smem:$0x3FA6] =	sst s0  }
0x9: {  	[smem:$0x3FA7] =	sst s1  }
0xa: {  	[smem:$0x3FA8] =	sst s2  }
0xb: {  	[smem:$0x3FA9] =	sst s3  }
0xc: {  	[smem:$0x3FAA] =	sst s4  }
0xd: {  	[smem:$0x3FAB] =	sst s5  }
0xe: {  	[smem:$0x3FAC] =	sst s6  }
0xf: {  	[smem:$0x3FAD] =	sst s7  }
0x10: {  	[smem:$0x3FAE] =	sst s8  }
0x11: {  	[smem:$0x3FAF] =	sst s9;
	s0 =	simm.s32 @!p0 $0x0  }
0x12: {  	s1 =	sld [smem:$0x3F95];
	s0 =	simm.s32 @p0 $0x1  }
0x13: {  	[smem:$0x3FB0] =	sst s0;
	s0 =	simm.s32 @!p1 $0x0  }
0x14: {  	s2 =	sld [smem:$0x3F94];
	s0 =	simm.s32 @p1 $0x1  }
0x15: {  	[smem:$0x3FB1] =	sst s0;
	s0 =	simm.s32 @!p2 $0x0  }
0x16: {  	s3 =	sld [smem:$0x3FDB];
	s0 =	simm.s32 @p2 $0x1  }
0x17: {  	s4 =	simm.s32 $0x1BF5;
	[smem:$0x3FB3] =	sst s0  }
0x18: {  	s0 =	sld [smem:$0x3F96];
	_ =	swait.ge [sflag:s4], $0x0  }
0x19: {  	s7 =	sld [smem:$0x3F97]  }
0x1a: {  	s8 =	sadd.s32 $0xFFFFE003, lr  }
0x1b: {  	s9 =	sadd.s32 $0xFFFFFEF7, lr;
	s5 =	simm.s32 $0xFFFFFFFF;
	p2 =	slt.u32 s8, $0xFFFFF086  }
0x1c: {  	p1 =	slt.u32 s9, $0xF7A;
	s5 =	simm.s32 @!p2 $0x0  }
0x1d: {  	s5 =	simm.s32 @p1 $0x1;
	p0 =	seq.s32 s7, s2  }
0x1e: {  	s7 =	smul.u32 @!p0 $0xF7A, s2;
	p2 =	seq.s32 @!p0 s5, $0x0  }
0x1f: {  	s9 =	smul.u32 $0xF7A, s1;
	s8 =	simm.s32 @!p0 $0x1BF5;
	p2 =	por !p2, p0  }
0x20: {  	[sflag:s8] =	ssyncset.s32 @!p0 $0xFFFFF086;
	s6 =	sadd.s32 @!p0 s3, s7;
	s7 =	simm.s32 @!p0 $0x108  }
0x21: {  	s3 =	sadd.s32 s3, s9;
	s6 =	sadd.s32 @!p0 $0x88, s6;
	s7 =	simm.s32 @p2 $0x1082  }
0x22: {  	[simem:s7], [sflag:s8] =	dma.local @!p0 [hbm:s6], $0xF7A  }
0x23: {  	s9 =	sor.u32 $0xD0000000, s2;
	s6 =	simm.s32 $0x108;
	_ =	swait.ge @!p0 [sflag:s8], $0x0  }
0x24: {  	s3 =	sadd.s32 $0x88, s3;
	s6 =	simm.s32 @!p1 $0x1082;
	[sflag:s4] =	ssyncset.s32 $0xFFFFF086  }
0x25: {  	[simem:s6], [sflag:s4] =	dma.local [hbm:s3], $0xF7A  }
0x26: {  	[smem:$0x3F97] =	sst s1;
	(tag) =	ssettag s2;
	_ =	strace s9  }
0x27: {  	s1 =	sld [smem:$0x3FA7]  }
0x28: {  	s2 =	sld [smem:$0x3FA8]  }
0x29: {  	s4 =	sld [smem:$0x3FAA]  }
0x2a: {  	p0 =	seq.s32 s5, $0x0;
	s5 =	sld [smem:$0x3FAB]  }
0x2b: {  	s6 =	sld [smem:$0x3FAC]  }
0x2c: {  	s7 =	sld [smem:$0x3FAD]  }
0x2d: {  	s3 =	simm.s32 $0x108;
	s8 =	sld [smem:$0x3FAE]  }
0x2e: {  	s3 =	simm.s32 @!p0 $0x1082;
	s9 =	sld [smem:$0x3FAF]  }
0x2f: {  	lr =	sadd.s32 s0, s3;
	s0 =	sld [smem:$0x3FA6]  }
0x30: {  	s3 =	sld [smem:$0x3FA9]  }
0x31: {  	[smem:$0x3FB2] =	sst s10  }
0x32: {  	s10 =	sld [smem:$0x3FB0];
	_ =	sdelay $0x3  }
0x33: {  	p0 =	seq.s32 s10, $0x1;
	s10 =	sld [smem:$0x3FB2];
	_ =	sdelay $0x3  }
0x34: {  	[smem:$0x3FB2] =	sst s10  }
0x35: {  	s10 =	sld [smem:$0x3FB1];
	_ =	sdelay $0x3  }
0x36: {  	p1 =	seq.s32 s10, $0x1;
	s10 =	sld [smem:$0x3FB2];
	_ =	sdelay $0x3  }
0x37: {  	[smem:$0x3FB2] =	sst s10  }
0x38: {  	s10 =	sld [smem:$0x3FB3]  }
0x39: {  	_ = 	snop;
	(pc) =	sbr.ind lr, $3  }
0x3a: {  	_ = 	snop  }
0x3b: {  	_ = 	snop  }
0x3c: {  	p2 =	seq.s32 s10, $0x1;
	s10 =	sld [smem:$0x3FB2]  }
0x3d: {  	_ =	shalt  }
0x3e: {  	_ =	shalt  }
0x3f: {  	_ =	shalt  }
0x40: {  	_ =	shalt  }
0x41: {  	_ =	shalt  }
0x42: {  	_ =	shalt  }
0x43: {  	_ =	shalt  }
0x44: {  	_ =	shalt  }
0x45: {  	_ =	shalt  }
0x46: {  	_ =	shalt  }
0x47: {  	_ =	shalt  }
0x48: {  	_ =	shalt  }
0x49: {  	_ =	shalt  }
0x4a: {  	_ =	shalt  }
0x4b: {  	_ =	shalt  }
0x4c: {  	_ =	shalt  }
0x4d: {  	_ =	shalt  }
0x4e: {  	_ =	shalt  }
0x4f: {  	_ =	shalt  }
0x50: {  	_ =	shalt  }
0x51: {  	_ =	shalt  }
0x52: {  	_ =	shalt  }
0x53: {  	_ =	shalt  }
0x54: {  	_ =	shalt  }
0x55: {  	_ =	shalt  }
0x56: {  	_ =	shalt  }
0x57: {  	_ =	shalt  }
0x58: {  	_ =	shalt  }
0x59: {  	_ =	shalt  }
0x5a: {  	_ =	shalt  }
0x5b: {  	_ =	shalt  }
0x5c: {  	_ =	shalt  }
0x5d: {  	_ =	shalt  }
0x5e: {  	_ =	shalt  }
0x5f: {  	_ =	shalt  }
0x60: {  	_ =	shalt  }
0x61: {  	_ =	shalt  }
0x62: {  	_ =	shalt  }
0x63: {  	_ =	shalt  }
0x64: {  	_ =	shalt  }
0x65: {  	_ =	shalt  }
0x66: {  	_ =	shalt  }
0x67: {  	_ =	shalt  }
0x68: {  	_ =	shalt  }
0x69: {  	_ =	shalt  }
0x6a: {  	_ =	shalt  }
0x6b: {  	_ =	shalt  }
0x6c: {  	_ =	shalt  }
0x6d: {  	_ =	shalt  }
0x6e: {  	_ =	shalt  }
0x6f: {  	_ =	shalt  }
0x70: {  	_ =	shalt  }
0x71: {  	_ =	shalt  }
0x72: {  	_ =	shalt  }
0x73: {  	_ =	shalt  }
0x74: {  	_ =	shalt  }
0x75: {  	_ =	shalt  }
0x76: {  	_ =	shalt  }
0x77: {  	_ =	shalt  }
0x78: {  	_ =	shalt  }
0x79: {  	_ =	shalt  }
0x7a: {  	_ =	shalt  }
0x7b: {  	_ =	shalt  }
0x7c: {  	_ =	shalt  }
0x7d: {  	_ =	shalt  }
0x7e: {  	_ =	shalt  }
0x7f: {  	_ =	shalt  }
0x80: {  	_ =	shalt  }
0x81: {  	_ =	shalt  }
0x82: {  	_ =	shalt  }
0x83: {  	_ =	shalt  }
0x84: {  	_ =	shalt  }
0x85: {  	_ =	shalt  }
0x86: {  	_ =	shalt  }
0x87: {  	_ =	shalt  }
.Lfunc_end0:
.L_simem_size_0:
called_computation_lowered:
.L_overlay_start_0:
0x88: {  	s2 =	sld [smem:$0x3FD9]  }
0x89: {  	s3 =	sld [smem:$0x3FFE];
	_ =	sdelay $0x1  }
0x8a: {  	s1 =	srdreg.scid  }
0x8b: {  	s0 =	sand.u32 $0x1, s1  }
0x8c: {  	s14 =	sshll.u32 s0, $0xA;
	s2 =	sadd.s32 s3, s2  }
0x8d: {  	s2 =	sadd.s32 s2, s14  }
0x8e: {  	[smem:$0x3FBE] =	sst s2  }
0x8f: {  	_ = 	snop  }
0x90: {  	s2 =	sld [smem:$0x3FD0];
	_ =	sdelay $0x2  }
0x91: {  	s15 =	simm.s32 $0xA;
	s4 =	simm.s32 $0x10  }
0x92: {  	[smem:s4], [sflag:s15] =	dma.local [hbm:s2], $0x1  }
0x93: {  	_ =	swait.eq [sflag:s15], $0x1  }
0x94: {  	[sflag:s15] =	ssyncset.done $0x0  }
0x95: {  	s16 =	sld [smem:$0x10];
	[sflag:s15] =	ssyncadd.s32 $0xFFFFFFFF  }
0x96: {  	s17 =	sld [smem:$0x11];
	(tm) =	ssettm $0x1  }
0x97: {  	s18 =	sld [smem:$0x3FFB];
	_ =	sdelay $0x3  }
0x98: {  	_ =	strace s18  }
0x99: {  	s4 =	sld [smem:$0x3FFC];
	_ =	sdelay $0x3  }
0x9a: {  	_ =	strace s4  }
0x9b: {  	s4 =	sld [smem:$0x3FFD];
	_ =	sdelay $0x3  }
0x9c: {  	_ =	strace s4  }
0x9d: {  	_ =	strace $0x8FFFFFFF  }
0x9e: {  	s19 =	sld [smem:$0x3FDB];
	_ =	sdelay $0x1  }
0x9f: {  	s5 =	simm.s32 $_scs_section_size  }
0xa0: {  	s6 =	simm.s32 $_size__tile_overlayer_lowered;
	s7 =	simm.s32 $_tile_overlayer_lowered  }
0xa1: {  	s22 =	simm.s32 $0x1BFF;
	s21 =	sshll.u32 s7, $0x1;
	s4 =	sadd.s32 s5, s19  }
0xa2: {  	s8 =	simm.s32 $0x0;
	s20 =	sshll.u32 s6, $0x1;
	s6 =	sadd.s32 s21, s4  }
0xa3: {  	[timem:s8], [sflag:s22] =	dma.local [hbm:s6], s20  }
0xa4: {  	_ =	swait.ge [sflag:s22], s20  }
0xa5: {  	s5 =	ssub.s32 $0x0, s20;
	[sflag:s22] =	ssyncset.done $0x0  }
0xa6: {  	[sflag:s22] =	ssyncadd.s32 s5;
	_ =	sdelay $0x1  }
0xa7: {  	s23 =	simm.s32 $0x1B8B  }
0xa8: {  	_ =	swait.ge [sflag:s23], $0x1  }
0xa9: {  	[sflag:s23] =	ssyncset.done $0x0  }
0xaa: {  	s25 =	simm.s32 $0x1B8E;
	s24 =	sld [smem:$0x3FFE];
	[sflag:s23] =	ssyncadd.s32 $0xFFFFFFFF  }
0xab: {  	s26 =	simm.s32 $execute0_lowered;
	[smem:$0x3FD2] =	sst s25  }
0xac: {  	s6 =	sshll.u32 s26, $0x1;
	_ =	strace $0x80000046;
	[dreg:$0x1] =	wrdreg $0xFFFFFFFF  }
0xad: {  	s28 =	simm.s32 $_size_execute0_lowered;
	s4 =	sadd.s32 s4, s6;
	[dreg:$0x0] =	wrdreg $0x0  }
0xae: {  	s6 =	sshll.u32 s28, $0x1;
	[dreg:$0x2] =	wrdreg s4  }
0xaf: {  	[dreg:$0x3] =	wrdreg s6  }
0xb0: {  	[dreg:$0x4] =	wrdreg $0xC0  }
0xb1: {  	_ =	task [dreg:s8], $0x5FFFF  }
0xb2: {  	[dreg:$0x1] =	wrdreg $0xFFFFFFFF  }
0xb3: {  	[dreg:$0x0] =	wrdreg $0x60  }
0xb4: {  	[dreg:$0x2] =	wrdreg s17  }
0xb5: {  	[dreg:$0x3] =	wrdreg s16  }
0xb6: {  	[dreg:$0x4] =	wrdreg s24  }
0xb7: {  	[dreg:$0x5] =	wrdreg $0x9  }
0xb8: {  	_ =	task.clear_ibuf [dreg:s8], $0x6FFFF;
	_ =	strace $0x90000046  }
0xb9: {  	s29 =	simm.s32 $0x9;
	_ =	strace $0x80000048  }
0xba: {  	_ =	swait.ge [sflag:s29], $0x1  }
0xbb: {  	[sflag:s29] =	ssyncadd.s32 $0xFFFFFFFF  }
0xbc: {  	_ =	strace $0x90000048  }
0xbd: {  	_ =	sfence  }
0xbe: {  	s30 =	sld [smem:$0x0];
	_ =	sdelay $0x2  }
0xbf: {  	s31 =	sshll.u32 s1, $0xD;
	s1 =	sshrl.u32 s1, $0x2  }
0xc0: {  	s3 =	sand.u32 $0x4000, s31;
	s1 =	sadd.s32 s1, s30  }
0xc1: {  	s0 =	sor.u32 s3, s0;
	s1 =	sshll.u32 s1, $0x11  }
0xc2: {  	s0 =	sor.u32 s1, s0  }
0xc3: {  	s0 =	sadd.s32 $0x8F2B, s0  }
0xc4: {  	[sflag:s0] =	ssyncadd.remote.s32 $0x1  }
0xc5: {  	_ =	sfence.sel $0xFFFF  }
0xc6: {  	[dreg:$0x0] =	wrdreg $0xFFFFFFFF;
	(pc) =	sbr.abs _section_cstart, $3  }
0xc7: {  	[dreg:$0x1] =	wrdreg $0xFFFFFFFF  }
0xc8: {  	_ =	task.clear_ibuf [dreg:s8], $0x2FFFF;
	_ =	strace $0x9FFFFFFF  }
0xc9: {  	(tm) =	ssettm $0x7FFFFFFF  }
tec
execute0_lowered:
.L_overlay_start_1:
0x0: {  	(tag) =	ssettag $0x1  }
0x1: {  	s1 =	rddreg [dreg:$0x0]  }
0x2: {  	s3 =	stileid.u32;
	s5 =	rddreg [dreg:$0x1]  }
0x3: {  	s0 =	srdreg.scid;
	s6 =	rddreg [dreg:$0x2];
	s11 =	simm.s32 $0x5  }
0x4: {  	s12 =	simm.s32 $0x1780;
	s13 =	simm.s32 $0x80;
	s14 =	simm.s32 $0x2F00  }
0x5: {  	s15 =	simm.s32 $0x6F00;
	s17 =	simm.s32 $0xAF00;
	s19 =	simm.s32 $0x1880  }
0x6: {  	s20 =	simm.s32 $0x0;
	s2 =	smul.u32 $0x3, s3;
	s0 =	sand.u32 $0x1, s0  }
0x7: {  	s4 =	smul.u32 $0x2F, s3;
	s3 =	simm.s32 $0x0;
	p0 =	seq.s32 s0, $0x0  }
0x8: {  	[smem:$0x7FF] =	sst s3;
	s9 =	ssub.s32 $0x2, s0;
	s2 =	sadd.s32 $0x2F0, s2  }
0x9: {  	_ =	strace $0x80000047;
	s10 =	sshrl.u32 s9, $0x1;
	s2 =	smov.u32 @p0 s4  }
0xa: {  	s4 =	simm.s32 $0x2F;
	s9 =	ssub.s32 s9, s10;
	s7 =	sshll.u32 s2, $0x4  }
0xb: {  	s2 =	sshll.u32 s2, $0xB;
	s4 =	simm.s32 @!p0 $0x3;
	p0 =	sne.s32 s0, $0x0  }
0xc: {  	s8 =	sadd.s32 s7, s6;
	s2 =	sadd.s32 s2, s6;
	s31 =	sadd.s32 $0x3, s4  }
0xd: {  	s5 =	sadd.s32 s5, s7;
	s7 =	smax.u32 s9, $0x1;
	s6 =	sadd.s32 $0x800, s8  }
0xe: {  	s8 =	sadd.s32 $0x3E00, s2;
	s9 =	sand.u32 $0x3C, s31;
	s10 =	sadd.s32 $0x193E00, s2  }
.LBB2_1:
0xf: {  	[tilespmem:s3], [sflag:$0x5] =	stream.linear.gather [hbm4b:s5+s3], $0x1780, $0x38;
	[tilespmem:$0x12F00] =	vst v63  }
0x10: {  	_ =	swait.ge [sflag:s11], $0x1780  }
0x11: {  	[sflag:s11] =	ssyncset.done $0x0  }
0x12: {  	[sflag:s11] =	ssyncadd.s32 $0xFFFFE880  }
0x13: {  	[tilespmem:s12], [sflag:$0x5] =	stream.linear.gather [hbm4b:s6+s3], $0x1780, $0x38;
	[tilespmem:$0x12F00] =	vst v63  }
0x14: {  	_ =	swait.ge [sflag:s11], $0x1780  }
0x15: {  	[sflag:s11] =	ssyncset.done $0x0  }
0x16: {  	[sflag:s11] =	ssyncadd.s32 $0xFFFFE880  }
0x17: {  	[tilespmem:s14], [sflag:$0x1] =	stream.indirect.gather [hbm4b:s1+s13], $0x80, s3, s13, $0xb8;
	[tilespmem:$0x12F00] =	vst v63  }
0x18: {  	_ = 	snop  }
0x19: {  	[tilespmem:s15], [sflag:$0x2] =	stream.indirect.gather [hbm4b:s1+s13], $0x80, s13, s13, $0xb8;
	[tilespmem:$0x12F00] =	vst v63  }
0x1a: {  	s0 =	simm.s32 $0x100;
	s21 =	simm.s32 @!p0 $0x80  }
0x1b: {  	[tilespmem:s17], [sflag:$0x3] =	stream.indirect.gather [hbm4b:s1+s13], $0x80, s0, s13, $0xb8;
	[tilespmem:$0x12F00] =	vst v63  }
0x1c: {  	s22 =	simm.s32 @!p0 $0xEF00;
	p2 =	sle.u32 s4, $0x0;
	s0 =	simm.s32 @!p0 $0x180  }
0x1d: {  	[tilespmem:s22], [sflag:$0x4] =	stream.indirect.gather @!p0 [hbm4b:s1+s21], $0x80, s0, s21, $0xb8;
	[tilespmem:$0x12F00] =	vst v63  }
0x1e: {  	s0 =	simm.s32 @!p2 $0x1  }
0x1f: {  	_ =	swait.ge @!p2 [sflag:s0], $0x4000  }
0x20: {  	s2 =	simm.s32 @!p2 $0x5;
	[sflag:s0] =	ssyncset.done @!p2 $0x0  }
0x21: {  	s23 =	simm.s32 @!p2 $0x2F00;
	[sflag:s0] =	ssyncadd.s32 @!p2 $0xFFFFC000;
	s0 =	simm.s32 @!p2 $0x0  }
0x22: {  	[hbm4b:s8+s0] =	stream.linear.scatter @!p2 [tilespmem:s23], [sflag:$0x5], $0x4000, $0x38;
	[tilespmem:$0x12F00] =	vst v63  }
0x23: {  	p1 =	sle.u32 s4, $0x1;
	p3 =	sle.u32 s4, $0x4;
	_ =	swait.ge @!p2 [sflag:s2], $0x4000  }
0x24: {  	s24 =	simm.s32 @!p3 $0x2F00;
	s23 =	simm.s32 $0x200;
	[sflag:s2] =	ssyncset.done @!p2 $0x0  }
0x25: {  	s0 =	simm.s32 @!p1 $0x2;
	[sflag:s2] =	ssyncadd.s32 @!p2 $0xFFFFC000;
	s2 =	simm.s32 @!p3 $0x80  }
0x26: {  	[tilespmem:s24], [sflag:$0x1] =	stream.indirect.gather @!p3 [hbm4b:s1+s2], $0x80, s23, s2, $0xb8;
	[tilespmem:$0x12F00] =	vst v63  }
0x27: {  	_ =	swait.ge @!p1 [sflag:s0], $0x4000  }
0x28: {  	s25 =	sadd.s32 @!p1 $0x800, s8;
	s2 =	simm.s32 @!p1 $0x0;
	[sflag:s0] =	ssyncset.done @!p1 $0x0  }
0x29: {  	s24 =	simm.s32 @!p1 $0x5;
	[sflag:s0] =	ssyncadd.s32 @!p1 $0xFFFFC000;
	s0 =	simm.s32 @!p1 $0x6F00  }
0x2a: {  	[hbm4b:s25+s2] =	stream.linear.scatter @!p1 [tilespmem:s0], [sflag:$0x5], $0x4000, $0x38;
	[tilespmem:$0x12F00] =	vst v63  }
0x2b: {  	p2 =	sle.u32 s4, $0x2;
	p3 =	sle.u32 s4, $0x5;
	_ =	swait.ge @!p1 [sflag:s24], $0x4000  }
0x2c: {  	s0 =	simm.s32 @!p3 $0x280;
	s2 =	simm.s32 @!p3 $0x6F00;
	[sflag:s24] =	ssyncset.done @!p1 $0x0  }
0x2d: {  	s25 =	simm.s32 @!p3 $0x80;
	[sflag:s24] =	ssyncadd.s32 @!p1 $0xFFFFC000;
	s24 =	simm.s32 @!p2 $0x3  }
0x2e: {  	[tilespmem:s2], [sflag:$0x2] =	stream.indirect.gather @!p3 [hbm4b:s1+s25], $0x80, s0, s25, $0xb8;
	[tilespmem:$0x12F00] =	vst v63  }
0x2f: {  	s31 =	simm.s32 $0x7;
	_ =	swait.ge @!p2 [sflag:s24], $0x4000  }
0x30: {  	s0 =	simm.s32 @!p2 $0xAF00;
	s2 =	simm.s32 @!p2 $0x5;
	[sflag:s24] =	ssyncset.done @!p2 $0x0  }
0x31: {  	s25 =	simm.s32 @!p2 $0x0;
	[sflag:s24] =	ssyncadd.s32 @!p2 $0xFFFFC000;
	s24 =	sadd.s32 @!p2 $0x1000, s8  }
0x32: {  	[hbm4b:s24+s25] =	stream.linear.scatter @!p2 [tilespmem:s0], [sflag:$0x5], $0x4000, $0x38;
	[tilespmem:$0x12F00] =	vst v63  }
0x33: {  	p1 =	sne.s32 s9, $0x4;
	p3 =	sle.u32 s4, $0x6;
	_ =	swait.ge @!p2 [sflag:s2], $0x4000  }
0x34: {  	s26 =	simm.s32 @!p3 $0xAF00;
	s24 =	simm.s32 $0x4;
	[sflag:s2] =	ssyncset.done @!p2 $0x0  }
0x35: {  	s0 =	simm.s32 @!p3 $0x300;
	[sflag:s2] =	ssyncadd.s32 @!p2 $0xFFFFC000;
	p2 =	sle.u32 s4, $0x3  }
.Ltmp0:
0x36: {  	s2 =	simm.s32 @!p3 $0x80;
	s28 =	simm.s32 @!p2 $0x4;
	(pc) =	sbr.rel @!p1 .LBB2_3-.Ltmp0, $4  }
0x37: {  	[tilespmem:s26], [sflag:$0x3] =	stream.indirect.gather @!p3 [hbm4b:s1+s2], $0x80, s0, s2, $0xb8;
	[tilespmem:$0x12F00] =	vst v63  }
0x38: {  	s25 =	simm.s32 $0x400;
	s2 =	simm.s32 @!p2 $0xEF00;
	_ =	swait.ge @!p2 [sflag:s28], $0x4000  }
0x39: {  	s26 =	sadd.s32 $0x2000, s8;
	s29 =	sadd.s32 @!p2 $0x1800, s8;
	[sflag:s28] =	ssyncset.done @!p2 $0x0  }
0x3a: {  	s0 =	simm.s32 @!p2 $0x0;
	s30 =	simm.s32 @!p2 $0x5;
	[sflag:s28] =	ssyncadd.s32 @!p2 $0xFFFFC000  }
.LBB2_2:
0x3b: {  	[hbm4b:s29+s0] =	stream.linear.scatter @!p2 [tilespmem:s2], [sflag:$0x5], $0x4000, $0x38;
	[tilespmem:$0x12F00] =	vst v63  }
0x3c: {  	s28 =	smov.u32 s24;
	s29 =	smov.u32 s26  }
0x3d: {  	s24 =	sadd.s32 $0x4, s24;
	p3 =	sge.u32 s28, s4;
	_ =	swait.ge @!p2 [sflag:s30], $0x4000  }
0x3e: {  	p1 =	sne.s32 s9, s24;
	s0 =	simm.s32 @!p3 $0x1;
	[sflag:s30] =	ssyncset.done @!p2 $0x0  }
0x3f: {  	[sflag:s30] =	ssyncadd.s32 @!p2 $0xFFFFC000;
	p2 =	sge.u32 s31, s4  }
0x40: {  	s2 =	sadd.s32 @!p2 $0x180, s23;
	s23 =	simm.s32 @!p2 $0x80;
	s30 =	simm.s32 @!p2 $0xEF00  }
0x41: {  	[tilespmem:s30], [sflag:$0x4] =	stream.indirect.gather @!p2 [hbm4b:s1+s23], $0x80, s2, s23, $0xb8;
	[tilespmem:$0x12F00] =	vst v63  }
0x42: {  	s2 =	sadd.s32 $0x1, s28;
	s23 =	smov.u32 s25;
	_ =	swait.ge @!p3 [sflag:s0], $0x4000  }
0x43: {  	p4 =	sge.u32 s24, s4;
	s30 =	simm.s32 @!p3 $0x5;
	[sflag:s0] =	ssyncset.done @!p3 $0x0  }
0x44: {  	s31 =	simm.s32 @!p3 $0x2F00;
	[sflag:s0] =	ssyncadd.s32 @!p3 $0xFFFFC000;
	s0 =	simm.s32 @!p3 $0x0  }
0x45: {  	[hbm4b:s26+s0] =	stream.linear.scatter @!p3 [tilespmem:s31], [sflag:$0x5], $0x4000, $0x38;
	[tilespmem:$0x12F00] =	vst v63  }
0x46: {  	p2 =	sge.u32 s2, s4;
	_ =	swait.ge @!p3 [sflag:s30], $0x4000  }
0x47: {  	s2 =	sadd.s32 $0x2, s28;
	s0 =	simm.s32 @!p2 $0x2;
	[sflag:s30] =	ssyncset.done @!p3 $0x0  }
0x48: {  	s31 =	simm.s32 @!p4 $0x2F00;
	[sflag:s30] =	ssyncadd.s32 @!p3 $0xFFFFC000;
	s30 =	simm.s32 @!p4 $0x80  }
0x49: {  	[tilespmem:s31], [sflag:$0x1] =	stream.indirect.gather @!p4 [hbm4b:s1+s30], $0x80, s25, s30, $0xb8;
	[tilespmem:$0x12F00] =	vst v63  }
0x4a: {  	s30 =	simm.s32 @!p2 $0x0;
	s31 =	simm.s32 @!p2 $0x5;
	_ =	swait.ge @!p2 [sflag:s0], $0x4000  }
0x4b: {  	s18 =	sadd.s32 $0x5, s28;
	s16 =	sadd.s32 @!p2 $0x800, s26;
	[sflag:s0] =	ssyncset.done @!p2 $0x0  }
0x4c: {  	p4 =	sge.u32 s18, s4;
	[sflag:s0] =	ssyncadd.s32 @!p2 $0xFFFFC000;
	s0 =	simm.s32 @!p2 $0x6F00  }
0x4d: {  	[hbm4b:s16+s30] =	stream.linear.scatter @!p2 [tilespmem:s0], [sflag:$0x5], $0x4000, $0x38;
	[tilespmem:$0x12F00] =	vst v63  }
0x4e: {  	s0 =	sadd.s32 @!p4 $0x80, s25;
	s16 =	simm.s32 @!p4 $0x6F00;
	_ =	swait.ge @!p2 [sflag:s31], $0x4000  }
0x4f: {  	p3 =	sge.u32 s2, s4;
	s18 =	simm.s32 @!p4 $0x80;
	[sflag:s31] =	ssyncset.done @!p2 $0x0  }
0x50: {  	s2 =	simm.s32 @!p3 $0x3;
	[sflag:s31] =	ssyncadd.s32 @!p2 $0xFFFFC000  }
0x51: {  	[tilespmem:s16], [sflag:$0x2] =	stream.indirect.gather @!p4 [hbm4b:s1+s18], $0x80, s0, s18, $0xb8;
	[tilespmem:$0x12F00] =	vst v63  }
0x52: {  	_ =	swait.ge @!p3 [sflag:s2], $0x4000  }
0x53: {  	s0 =	simm.s32 @!p3 $0xAF00;
	s16 =	simm.s32 @!p3 $0x5;
	[sflag:s2] =	ssyncset.done @!p3 $0x0  }
0x54: {  	s18 =	simm.s32 @!p3 $0x0;
	[sflag:s2] =	ssyncadd.s32 @!p3 $0xFFFFC000;
	s2 =	sadd.s32 @!p3 $0x1000, s26  }
0x55: {  	[hbm4b:s2+s18] =	stream.linear.scatter @!p3 [tilespmem:s0], [sflag:$0x5], $0x4000, $0x38;
	[tilespmem:$0x12F00] =	vst v63  }
0x56: {  	s0 =	sadd.s32 $0x6, s28  }
0x57: {  	s25 =	sadd.s32 $0x200, s25;
	_ =	swait.ge @!p3 [sflag:s16], $0x4000;
	p4 =	sge.u32 s0, s4  }
0x58: {  	s0 =	sadd.s32 $0x3, s28;
	[sflag:s16] =	ssyncset.done @!p3 $0x0;
	s2 =	sadd.s32 @!p4 $0x100, s23  }
0x59: {  	p2 =	sge.u32 s0, s4;
	s0 =	simm.s32 @!p4 $0x80;
	[sflag:s16] =	ssyncadd.s32 @!p3 $0xFFFFC000  }
.Ltmp1:
0x5a: {  	s16 =	simm.s32 @!p4 $0xAF00;
	s18 =	simm.s32 @!p2 $0x4;
	(pc) =	sbr.rel @p1 .LBB2_2-.Ltmp1, $4  }
0x5b: {  	[tilespmem:s16], [sflag:$0x3] =	stream.indirect.gather @!p4 [hbm4b:s1+s0], $0x80, s2, s0, $0xb8;
	[tilespmem:$0x12F00] =	vst v63  }
0x5c: {  	s26 =	sadd.s32 $0x2000, s26;
	s2 =	simm.s32 @!p2 $0xEF00;
	_ =	swait.ge @!p2 [sflag:s18], $0x4000  }
0x5d: {  	s29 =	sadd.s32 @!p2 $0x1800, s29;
	s0 =	simm.s32 @!p2 $0x0;
	[sflag:s18] =	ssyncset.done @!p2 $0x0  }
0x5e: {  	s31 =	sadd.s32 $0x7, s28;
	s30 =	simm.s32 @!p2 $0x5;
	[sflag:s18] =	ssyncadd.s32 @!p2 $0xFFFFC000  }
.LBB2_3:
0x5f: {  	[hbm4b:s29+s0] =	stream.linear.scatter @!p2 [tilespmem:s2], [sflag:$0x5], $0x4000, $0x38;
	[tilespmem:$0x12F00] =	vst v63  }
0x60: {  	p1 =	sge.u32 s31, s4;
	_ =	swait.ge @!p2 [sflag:s30], $0x4000  }
0x61: {  	s0 =	sadd.s32 @!p1 $0x180, s23;
	[sflag:s30] =	ssyncset.done @!p2 $0x0  }
0x62: {  	s2 =	simm.s32 @!p1 $0x80;
	s16 =	simm.s32 @!p1 $0xEF00;
	[sflag:s30] =	ssyncadd.s32 @!p2 $0xFFFFC000  }
0x63: {  	[tilespmem:s16], [sflag:$0x4] =	stream.indirect.gather @!p1 [hbm4b:s1+s2], $0x80, s0, s2, $0xb8;
	[tilespmem:$0x12F00] =	vst v63  }
0x64: {  	_ = 	snop  }
0x65: {  	[tilespmem:s14], [sflag:$0x1] =	stream.indirect.gather [hbm4b:s1+s13], $0x80, s12, s13, $0xb8;
	[tilespmem:$0x12F00] =	vst v63  }
0x66: {  	s31 =	simm.s32 $0x1800  }
0x67: {  	[tilespmem:s15], [sflag:$0x2] =	stream.indirect.gather [hbm4b:s1+s13], $0x80, s31, s13, $0xb8;
	[tilespmem:$0x12F00] =	vst v63  }
0x68: {  	_ = 	snop  }
0x69: {  	[tilespmem:s17], [sflag:$0x3] =	stream.indirect.gather [hbm4b:s1+s13], $0x80, s19, s13, $0xb8;
	[tilespmem:$0x12F00] =	vst v63  }
0x6a: {  	p2 =	sle.u32 s4, $0x0;
	s0 =	simm.s32 @!p0 $0x1900  }
0x6b: {  	[tilespmem:s22], [sflag:$0x4] =	stream.indirect.gather @!p0 [hbm4b:s1+s21], $0x80, s0, s21, $0xb8;
	[tilespmem:$0x12F00] =	vst v63  }
0x6c: {  	s0 =	simm.s32 @!p2 $0x1  }
0x6d: {  	_ =	swait.ge @!p2 [sflag:s0], $0x4000  }
0x6e: {  	s2 =	simm.s32 @!p2 $0x5;
	[sflag:s0] =	ssyncset.done @!p2 $0x0  }
0x6f: {  	s16 =	simm.s32 @!p2 $0x2F00;
	[sflag:s0] =	ssyncadd.s32 @!p2 $0xFFFFC000;
	s0 =	simm.s32 @!p2 $0x0  }
0x70: {  	[hbm4b:s10+s0] =	stream.linear.scatter @!p2 [tilespmem:s16], [sflag:$0x5], $0x4000, $0x38;
	[tilespmem:$0x12F00] =	vst v63  }
0x71: {  	p3 =	sle.u32 s4, $0x4;
	p1 =	sle.u32 s4, $0x1;
	_ =	swait.ge @!p2 [sflag:s2], $0x4000  }
0x72: {  	s21 =	simm.s32 $0x1980;
	s0 =	simm.s32 @!p1 $0x2;
	[sflag:s2] =	ssyncset.done @!p2 $0x0  }
0x73: {  	s16 =	simm.s32 @!p3 $0x2F00;
	[sflag:s2] =	ssyncadd.s32 @!p2 $0xFFFFC000;
	s2 =	simm.s32 @!p3 $0x80  }
0x74: {  	[tilespmem:s16], [sflag:$0x1] =	stream.indirect.gather @!p3 [hbm4b:s1+s2], $0x80, s21, s2, $0xb8;
	[tilespmem:$0x12F00] =	vst v63  }
0x75: {  	_ =	swait.ge @!p1 [sflag:s0], $0x4000  }
0x76: {  	s18 =	sadd.s32 @!p1 $0x800, s10;
	s2 =	simm.s32 @!p1 $0x0;
	[sflag:s0] =	ssyncset.done @!p1 $0x0  }
0x77: {  	s16 =	simm.s32 @!p1 $0x5;
	[sflag:s0] =	ssyncadd.s32 @!p1 $0xFFFFC000;
	s0 =	simm.s32 @!p1 $0x6F00  }
0x78: {  	[hbm4b:s18+s2] =	stream.linear.scatter @!p1 [tilespmem:s0], [sflag:$0x5], $0x4000, $0x38;
	[tilespmem:$0x12F00] =	vst v63  }
0x79: {  	p2 =	sle.u32 s4, $0x2;
	p3 =	sle.u32 s4, $0x5;
	_ =	swait.ge @!p1 [sflag:s16], $0x4000  }
0x7a: {  	s0 =	simm.s32 @!p3 $0x1A00;
	s2 =	simm.s32 @!p3 $0x6F00;
	[sflag:s16] =	ssyncset.done @!p1 $0x0  }
0x7b: {  	s18 =	simm.s32 @!p3 $0x80;
	[sflag:s16] =	ssyncadd.s32 @!p1 $0xFFFFC000;
	s16 =	simm.s32 @!p2 $0x3  }
0x7c: {  	[tilespmem:s2], [sflag:$0x2] =	stream.indirect.gather @!p3 [hbm4b:s1+s18], $0x80, s0, s18, $0xb8;
	[tilespmem:$0x12F00] =	vst v63  }
0x7d: {  	s24 =	sadd.s32 $0x2000, s10;
	_ =	swait.ge @!p2 [sflag:s16], $0x4000  }
0x7e: {  	s0 =	simm.s32 @!p2 $0xAF00;
	s2 =	simm.s32 @!p2 $0x5;
	[sflag:s16] =	ssyncset.done @!p2 $0x0  }
0x7f: {  	s18 =	simm.s32 @!p2 $0x0;
	[sflag:s16] =	ssyncadd.s32 @!p2 $0xFFFFC000;
	s16 =	sadd.s32 @!p2 $0x1000, s10  }
0x80: {  	[hbm4b:s16+s18] =	stream.linear.scatter @!p2 [tilespmem:s0], [sflag:$0x5], $0x4000, $0x38;
	[tilespmem:$0x12F00] =	vst v63  }
0x81: {  	s29 =	simm.s32 $0x7;
	p3 =	sle.u32 s4, $0x6;
	_ =	swait.ge @!p2 [sflag:s2], $0x4000  }
0x82: {  	p1 =	sne.s32 s9, $0x4;
	s0 =	simm.s32 @!p3 $0x1A80;
	[sflag:s2] =	ssyncset.done @!p2 $0x0  }
0x83: {  	s16 =	simm.s32 @!p3 $0xAF00;
	[sflag:s2] =	ssyncadd.s32 @!p2 $0xFFFFC000;
	p2 =	sle.u32 s4, $0x3  }
.Ltmp2:
0x84: {  	s2 =	simm.s32 @!p3 $0x80;
	s18 =	simm.s32 @!p2 $0x4;
	(pc) =	sbr.rel @!p1 .LBB2_5-.Ltmp2, $4  }
0x85: {  	[tilespmem:s16], [sflag:$0x3] =	stream.indirect.gather @!p3 [hbm4b:s1+s2], $0x80, s0, s2, $0xb8;
	[tilespmem:$0x12F00] =	vst v63  }
0x86: {  	s23 =	simm.s32 $0x1B80;
	s22 =	simm.s32 $0x4;
	_ =	swait.ge @!p2 [sflag:s18], $0x4000  }
0x87: {  	s2 =	simm.s32 @!p2 $0xEF00;
	s26 =	sadd.s32 @!p2 $0x1800, s10;
	[sflag:s18] =	ssyncset.done @!p2 $0x0  }
0x88: {  	s0 =	simm.s32 @!p2 $0x0;
	s28 =	simm.s32 @!p2 $0x5;
	[sflag:s18] =	ssyncadd.s32 @!p2 $0xFFFFC000  }
.LBB2_4:
0x89: {  	[hbm4b:s26+s0] =	stream.linear.scatter @!p2 [tilespmem:s2], [sflag:$0x5], $0x4000, $0x38;
	[tilespmem:$0x12F00] =	vst v63  }
0x8a: {  	s25 =	smov.u32 s22;
	s26 =	smov.u32 s24  }
0x8b: {  	s22 =	sadd.s32 $0x4, s22;
	p3 =	sge.u32 s25, s4;
	_ =	swait.ge @!p2 [sflag:s28], $0x4000  }
0x8c: {  	p1 =	sne.s32 s9, s22;
	s0 =	simm.s32 @!p3 $0x1;
	[sflag:s28] =	ssyncset.done @!p2 $0x0  }
0x8d: {  	[sflag:s28] =	ssyncadd.s32 @!p2 $0xFFFFC000;
	p2 =	sge.u32 s29, s4  }
0x8e: {  	s2 =	sadd.s32 @!p2 $0x180, s21;
	s16 =	simm.s32 @!p2 $0x80;
	s18 =	simm.s32 @!p2 $0xEF00  }
0x8f: {  	[tilespmem:s18], [sflag:$0x4] =	stream.indirect.gather @!p2 [hbm4b:s1+s16], $0x80, s2, s16, $0xb8;
	[tilespmem:$0x12F00] =	vst v63  }
0x90: {  	s21 =	smov.u32 s23;
	s2 =	sadd.s32 $0x1, s25;
	_ =	swait.ge @!p3 [sflag:s0], $0x4000  }
0x91: {  	p4 =	sge.u32 s22, s4;
	s16 =	simm.s32 @!p3 $0x5;
	[sflag:s0] =	ssyncset.done @!p3 $0x0  }
0x92: {  	s18 =	simm.s32 @!p3 $0x2F00;
	[sflag:s0] =	ssyncadd.s32 @!p3 $0xFFFFC000;
	s0 =	simm.s32 @!p3 $0x0  }
0x93: {  	[hbm4b:s24+s0] =	stream.linear.scatter @!p3 [tilespmem:s18], [sflag:$0x5], $0x4000, $0x38;
	[tilespmem:$0x12F00] =	vst v63  }
0x94: {  	p2 =	sge.u32 s2, s4;
	_ =	swait.ge @!p3 [sflag:s16], $0x4000  }
0x95: {  	s2 =	sadd.s32 $0x2, s25;
	s0 =	simm.s32 @!p2 $0x2;
	[sflag:s16] =	ssyncset.done @!p3 $0x0  }
0x96: {  	s18 =	simm.s32 @!p4 $0x2F00;
	[sflag:s16] =	ssyncadd.s32 @!p3 $0xFFFFC000;
	s16 =	simm.s32 @!p4 $0x80  }
0x97: {  	[tilespmem:s18], [sflag:$0x1] =	stream.indirect.gather @!p4 [hbm4b:s1+s16], $0x80, s23, s16, $0xb8;
	[tilespmem:$0x12F00] =	vst v63  }
0x98: {  	s16 =	simm.s32 @!p2 $0x0;
	s18 =	simm.s32 @!p2 $0x5;
	_ =	swait.ge @!p2 [sflag:s0], $0x4000  }
0x99: {  	s29 =	sadd.s32 $0x5, s25;
	s28 =	sadd.s32 @!p2 $0x800, s24;
	[sflag:s0] =	ssyncset.done @!p2 $0x0  }
0x9a: {  	p4 =	sge.u32 s29, s4;
	[sflag:s0] =	ssyncadd.s32 @!p2 $0xFFFFC000;
	s0 =	simm.s32 @!p2 $0x6F00  }
0x9b: {  	[hbm4b:s28+s16] =	stream.linear.scatter @!p2 [tilespmem:s0], [sflag:$0x5], $0x4000, $0x38;
	[tilespmem:$0x12F00] =	vst v63  }
0x9c: {  	s0 =	sadd.s32 @!p4 $0x80, s23;
	s16 =	simm.s32 @!p4 $0x6F00;
	_ =	swait.ge @!p2 [sflag:s18], $0x4000  }
0x9d: {  	p3 =	sge.u32 s2, s4;
	s28 =	simm.s32 @!p4 $0x80;
	[sflag:s18] =	ssyncset.done @!p2 $0x0  }
0x9e: {  	s2 =	simm.s32 @!p3 $0x3;
	[sflag:s18] =	ssyncadd.s32 @!p2 $0xFFFFC000  }
0x9f: {  	[tilespmem:s16], [sflag:$0x2] =	stream.indirect.gather @!p4 [hbm4b:s1+s28], $0x80, s0, s28, $0xb8;
	[tilespmem:$0x12F00] =	vst v63  }
0xa0: {  	_ =	swait.ge @!p3 [sflag:s2], $0x4000  }
0xa1: {  	s0 =	simm.s32 @!p3 $0xAF00;
	s16 =	simm.s32 @!p3 $0x5;
	[sflag:s2] =	ssyncset.done @!p3 $0x0  }
0xa2: {  	s18 =	simm.s32 @!p3 $0x0;
	[sflag:s2] =	ssyncadd.s32 @!p3 $0xFFFFC000;
	s2 =	sadd.s32 @!p3 $0x1000, s24  }
0xa3: {  	[hbm4b:s2+s18] =	stream.linear.scatter @!p3 [tilespmem:s0], [sflag:$0x5], $0x4000, $0x38;
	[tilespmem:$0x12F00] =	vst v63  }
0xa4: {  	s0 =	sadd.s32 $0x6, s25  }
0xa5: {  	s23 =	sadd.s32 $0x200, s23;
	_ =	swait.ge @!p3 [sflag:s16], $0x4000;
	p4 =	sge.u32 s0, s4  }
0xa6: {  	s0 =	sadd.s32 $0x3, s25;
	[sflag:s16] =	ssyncset.done @!p3 $0x0;
	s2 =	sadd.s32 @!p4 $0x100, s21  }
0xa7: {  	p2 =	sge.u32 s0, s4;
	s0 =	simm.s32 @!p4 $0x80;
	[sflag:s16] =	ssyncadd.s32 @!p3 $0xFFFFC000  }
.Ltmp3:
0xa8: {  	s16 =	simm.s32 @!p4 $0xAF00;
	s18 =	simm.s32 @!p2 $0x4;
	(pc) =	sbr.rel @p1 .LBB2_4-.Ltmp3, $4  }
0xa9: {  	[tilespmem:s16], [sflag:$0x3] =	stream.indirect.gather @!p4 [hbm4b:s1+s0], $0x80, s2, s0, $0xb8;
	[tilespmem:$0x12F00] =	vst v63  }
0xaa: {  	s24 =	sadd.s32 $0x2000, s24;
	s2 =	simm.s32 @!p2 $0xEF00;
	_ =	swait.ge @!p2 [sflag:s18], $0x4000  }
0xab: {  	s26 =	sadd.s32 @!p2 $0x1800, s26;
	s0 =	simm.s32 @!p2 $0x0;
	[sflag:s18] =	ssyncset.done @!p2 $0x0  }
0xac: {  	s29 =	sadd.s32 $0x7, s25;
	s28 =	simm.s32 @!p2 $0x5;
	[sflag:s18] =	ssyncadd.s32 @!p2 $0xFFFFC000  }
.LBB2_5:
0xad: {  	[hbm4b:s26+s0] =	stream.linear.scatter @!p2 [tilespmem:s2], [sflag:$0x5], $0x4000, $0x38;
	[tilespmem:$0x12F00] =	vst v63  }
0xae: {  	p1 =	sge.u32 s29, s4;
	_ =	swait.ge @!p2 [sflag:s28], $0x4000  }
0xaf: {  	s20 =	sadd.s32 $0x1, s20;
	s0 =	sadd.s32 @!p1 $0x180, s21;
	[sflag:s28] =	ssyncset.done @!p2 $0x0  }
0xb0: {  	s2 =	simm.s32 @!p1 $0x80;
	s16 =	simm.s32 @!p1 $0xEF00;
	[sflag:s28] =	ssyncadd.s32 @!p2 $0xFFFFC000  }
0xb1: {  	[tilespmem:s16], [sflag:$0x4] =	stream.indirect.gather @!p1 [hbm4b:s1+s2], $0x80, s0, s2, $0xb8;
	[tilespmem:$0x12F00] =	vst v63  }
0xb2: {  	p1 =	sne.s32 s20, s7  }
.Ltmp4:
0xb3: {  	_ = 	snop;
	(pc) =	sbr.rel @p1 .LBB2_1-.Ltmp4, $1  }
0xb4: {  	_ =	sdelay $0x3  }
0xb5: {  	_ =	sfence.sel $0x180000  }
0xb6: {  	[bflag:$0x0] =	sbarrier.arrive $0xFFFF  }
0xb7: {  	_ =	strace $0x90000047  }
0xb8: {  	s0 =	stileid.u32;
	[bflag:$0x2] =	sbarrier.arrive $0xFFFF  }
0xb9: {  	p0 =	sne.s32 s0, $0x0;
	s0 =	rddreg [dreg:$0x3]  }
0xba: {  	s0 =	sadd.s32 @!p0 $0x100000, s0  }
0xbb: {  	[sflag:s0] =	ssyncadd.tile.s32 @!p0 $0x1;
	_ =	shalt  }
.Lfunc_end2:
_tile_overlayer_lowered:
.L_overlay_start_2:
0xbc: {  	(tag) =	ssettag $0x2  }
0xbd: {  	s0 =	rddreg [dreg:$0x0];
	s2 =	stileid.u32  }
0xbe: {  	s1 =	rddreg [dreg:$0x1];
	p0 =	sne.s32 s2, $0x0  }
0xbf: {  	s3 =	rddreg [dreg:$0x2];
	[bflag:$0x3] =	sbarrier.arrive $0xFFFF;
	s2 =	simm.s32 @!p0 $0x1C05  }
0xc0: {  	[timem:s3], [sflag:s2] =	dma.local @!p0 [hbm:s0], s1  }
0xc1: {  	s0 =	simm.s32 @!p0 $0x5  }
0xc2: {  	_ =	swait.ge @!p0 [sflag:s0], s1  }
0xc3: {  	s1 =	ssub.s32 @!p0 $0x0, s1;
	[sflag:s0] =	ssyncset.done @!p0 $0x0  }
0xc4: {  	[sflag:s0] =	ssyncadd.s32 @!p0 s1  }
0xc5: {  	[bflag:$0x3] =	sbarrier.arrive $0xFFFF  }
0xc6: {  	_ =	shalt  }

</sc_bundles>
